<compile_context>
chip_gen: v7x
topology: tpu7x:2x2x1
jax: 0.10.2.dev20260603
libtpu: 0.0.44.dev20260713+nightly
codegen_flags: <defaults>
</compile_context>

<pallas_src>
import functools

import jax
import jax.numpy as jnp
from jax import lax
from jax.experimental import pallas as pl
from jax.experimental.pallas import tpu as pltpu
from jax.experimental.pallas import tpu_sc as plsc

ORIG_SHAPE = (4096, 4096)
NUMEL = ORIG_SHAPE[0] * ORIG_SHAPE[1]
K = 1677721

_info = plsc.get_sparse_core_info()
NC = _info.num_cores
NS = _info.num_subcores

HALF = NUMEL // NC
SLAB = 1 << 20
PASSES = HALF // SLAB
SIXT = SLAB // NS

W = 6560
NWIN = 16
CHUNK = W * NWIN
K_PAD = CHUNK * NS
PAD = K_PAD - K

CAP = 16384 + 128
FLUSH_THRESH = CAP - W - 128
RING = 8
CB = 128

_mesh = plsc.VectorSubcoreMesh(core_axis_name="c", subcore_axis_name="s")


@functools.partial(
    pl.kernel,
    mesh=_mesh,
    out_type=jax.ShapeDtypeStruct((NUMEL,), jnp.float32),
    scratch_types=[
        pltpu.VMEM((W,), jnp.int32),
        pltpu.VMEM((W,), jnp.float32),
        pltpu.VMEM((CAP,), jnp.int32),
        pltpu.VMEM((CAP,), jnp.float32),
        pltpu.VMEM_SHARED((SLAB + NS,), jnp.float32),
        pltpu.SemaphoreType.DMA,
    ],
    compiler_params=pltpu.CompilerParams(needs_layout_passes=False),
)
def _merge(x_hbm, inds_hbm, vals_hbm, out_hbm, idx_win, val_win, cidx, cval,
           slab, sem):
    c = lax.axis_index("c")
    s = lax.axis_index("s")
    chunk_base = s * CHUNK
    dump_vec = jnp.full((16,), SLAB, jnp.int32) + jnp.broadcast_to(s, (16,))

    def flush(off):
        for k2 in range(CB // 16):
            cidx[pl.ds(off + k2 * 16, 16)] = dump_vec
        nch = (off + (CB - 1)) // CB

        def fire(j, _):
            pltpu.make_async_copy(
                cval.at[pl.ds(j * CB, CB)],
                slab.at[cidx.at[pl.ds(j * CB, CB)]],
                sem,
            ).start()

            @pl.when(j >= RING)
            def _wait():
                pltpu.make_async_copy(
                    cval.at[pl.ds(0, CB)], slab.at[cidx.at[pl.ds(0, CB)]], sem
                ).wait()

            return 0

        lax.fori_loop(0, nch, fire, 0)

        def drain(j, _):
            pltpu.make_async_copy(
                cval.at[pl.ds(0, CB)], slab.at[cidx.at[pl.ds(0, CB)]], sem
            ).wait()
            return 0

        lax.fori_loop(0, jnp.minimum(nch, RING), drain, 0)
        return 0

    def one_pass(p, _):
        slab_base = c * HALF + p * SLAB
        pltpu.sync_copy(
            x_hbm.at[pl.ds(slab_base + s * SIXT, SIXT)],
            slab.at[pl.ds(s * SIXT, SIXT)],
        )
        plsc.subcore_barrier()

        def window(w, off):
            base = chunk_base + w * W
            pltpu.sync_copy(inds_hbm.at[pl.ds(base, W)], idx_win)
            pltpu.sync_copy(vals_hbm.at[pl.ds(base, W)], val_win)

            def step(i, off):
                o = off
                for u in range(5):
                    pos = i * 80 + u * 16
                    vi = idx_win[pl.ds(pos, 16)]
                    vv = val_win[pl.ds(pos, 16)]
                    rel = vi - slab_base
                    m = rel.astype(jnp.uint32) < jnp.uint32(SLAB)
                    plsc.store_compressed(cidx.at[pl.ds(o, 16)], rel, mask=m)
                    plsc.store_compressed(cval.at[pl.ds(o, 16)], vv, mask=m)
                    o = o + plsc.all_reduce_population_count(m)[0]
                return o

            off = lax.fori_loop(0, W // 80, step, off)
            return lax.cond(off >= FLUSH_THRESH, flush, lambda o: o, off)

        off = lax.fori_loop(0, NWIN, window, jnp.int32(0))
        flush(off)

        plsc.subcore_barrier()
        pltpu.sync_copy(
            slab.at[pl.ds(s * SIXT, SIXT)],
            out_hbm.at[pl.ds(slab_base + s * SIXT, SIXT)],
        )
        return 0

    lax.fori_loop(0, PASSES, one_pass, 0)


def kernel(X, inds, vals):
    inds_p = jnp.concatenate([inds, inds[:PAD]])
    vals_p = jnp.concatenate([vals, vals[:PAD]])
    out = _merge(X.reshape(-1), inds_p, vals_p)
    return out.reshape(ORIG_SHAPE)

# --- scband reference (transcript-rebuilt; emitter-appended) ---
"""Pipeline reference for scband-mask-40407052320796 (READ-ONLY COPY).

The authoritative reference and input builder live on the scoring server;
editing this copy changes nothing except your own understanding.
"""

import jax, jax.numpy as jnp
import numpy as np

ORIG_SHAPE = (4096, 4096)
NUMEL = ORIG_SHAPE[0] * ORIG_SHAPE[1]
K = 1677721


def setup_inputs(seed: int = 0) -> dict:
    key = jax.random.key(seed)
    k1, k2, k3 = jax.random.split(key, 3)
    X = jax.random.normal(k1, ORIG_SHAPE, dtype=jnp.float32)
    # unique flat indices (like torch.randperm slice) so scatter-overwrite is deterministic
    inds = jax.random.permutation(k2, NUMEL)[:K].astype(jnp.int32)
    vals = jax.random.normal(k3, (K,), dtype=jnp.float32)
    return {"X": X, "inds": inds, "vals": vals}


def reference(X, inds, vals):
    # torch.scatter(X.flatten(), 0, inds, vals) -> overwrite at inds, then view back
    flat = X.reshape(-1)
    flat = flat.at[inds].set(vals)
    return flat.reshape(ORIG_SHAPE)

if __name__ == "__main__":
    import jax
    _d = setup_inputs()
    print(jax.jit(kernel)(*tuple(_d.values())))

</pallas_src>

<mosaic_0001>
#map = affine_map<(d0, d1) -> (0)>
module attributes {stable_mosaic.version = 14 : i64} {
  func.func @_merge(%arg0: i32, %arg1: i32, %arg2: memref<16777216xf32, #tpu.memory_space<hbm>>, %arg3: memref<1679360xi32, #tpu.memory_space<hbm>>, %arg4: memref<1679360xf32, #tpu.memory_space<hbm>>, %arg5: memref<16777216xf32, #tpu.memory_space<hbm>>, %arg6: memref<6560xi32, #tpu.memory_space<vmem>>, %arg7: memref<6560xf32, #tpu.memory_space<vmem>>, %arg8: memref<16512xi32, #tpu.memory_space<vmem>>, %arg9: memref<16512xf32, #tpu.memory_space<vmem>>, %arg10: memref<1048592xf32, #tpu.memory_space<vmem_shared>>, %arg11: memref<!tpu.dma_semaphore, #tpu.memory_space<semaphore_mem>>) attributes {dimension_semantics = [#tpu.dimension_semantics<core_parallel>, #tpu.dimension_semantics<subcore_parallel>], iteration_bounds = array<i64: 2, 16>, scalar_prefetch = 0 : i64, scratch_operands = 6 : i64, tpu.core_type = #tpu.core_type<sc_vector_subcore>, window_params = [{transform_indices = #map}, {transform_indices = #map}, {transform_indices = #map}, {transform_indices = #map}]} {
    %mul3A = arith.constant 104960 : i32
    %mul3A_0 = arith.muli %arg1, %mul3A : i32
    %broadcast_in_dim3A = arith.constant 1048576 : i32
    %broadcast_in_dim3A_1 = vector.broadcast %broadcast_in_dim3A : i32 to vector<16xi32>
    %broadcast_in_dim3A_2 = vector.broadcast %arg1 : i32 to vector<16xi32>
    %add3A = arith.addi %broadcast_in_dim3A_1, %broadcast_in_dim3A_2 : vector<16xi32>
    %scan3A = arith.constant 0 : i32
    %scan3A_3 = arith.constant 0 : i32
    %scan3A_4 = arith.constant 8 : i32
    %scan3A_5 = arith.addi %scan3A_3, %scan3A_4 : i32
    %scan3A_6 = arith.constant 1 : i32
    %scan3A_7 = scf.for %scan3A_9 = %scan3A_3 to %scan3A_5 step %scan3A_6 iter_args(%scan3A_10 = %scan3A) -> (i32)  : i32 {
      %mul3A_11 = arith.constant 8388608 : i32
      %mul3A_12 = arith.muli %arg0, %mul3A_11 : i32
      %mul3A_13 = arith.constant 1048576 : i32
      %mul3A_14 = arith.muli %scan3A_9, %mul3A_13 : i32
      %add3A_15 = arith.addi %mul3A_12, %mul3A_14 : i32
      %mul3A_16 = arith.constant 65536 : i32
      %mul3A_17 = arith.muli %arg1, %mul3A_16 : i32
      %add3A_18 = arith.addi %add3A_15, %mul3A_17 : i32
      %mul3A_19 = arith.constant 65536 : i32
      %mul3A_20 = arith.muli %arg1, %mul3A_19 : i32
      "tpu.region"() ({
        %run_scoped3A = tpu.sem_alloc : memref<!tpu.dma_semaphore, #tpu.memory_space<semaphore_mem>>
        %dma_start3A = tpu.memref_slice %arg10[%mul3A_20] : memref<1048592xf32, #tpu.memory_space<vmem_shared>> -> memref<65536xf32, #tpu.memory_space<vmem_shared>>
        %dma_start3A_108 = tpu.memref_slice %arg2[%add3A_18] : memref<16777216xf32, #tpu.memory_space<hbm>> -> memref<65536xf32, #tpu.memory_space<hbm>>
        tpu.enqueue_dma source(%dma_start3A_108 : memref<65536xf32, #tpu.memory_space<hbm>>) target(%dma_start3A : memref<65536xf32, #tpu.memory_space<vmem_shared>>) target_semaphore(%run_scoped3A : memref<!tpu.dma_semaphore, #tpu.memory_space<semaphore_mem>>)
        %dma_wait3A = tpu.memref_slice %arg10[%mul3A_20] : memref<1048592xf32, #tpu.memory_space<vmem_shared>> -> memref<65536xf32, #tpu.memory_space<vmem_shared>>
        %dma_wait3A_109 = tpu.memref_slice %arg2[%add3A_18] : memref<16777216xf32, #tpu.memory_space<hbm>> -> memref<65536xf32, #tpu.memory_space<hbm>>
        tpu.wait_dma2 semaphore(%run_scoped3A : memref<!tpu.dma_semaphore, #tpu.memory_space<semaphore_mem>>) src(%dma_wait3A_109 : memref<65536xf32, #tpu.memory_space<hbm>>) dst(%dma_wait3A : memref<65536xf32, #tpu.memory_space<vmem_shared>>)
        tpu.yield
      }) : () -> ()
      %barrier3A = arith.constant 0 : index
      tpu.barrier barrier_id(%barrier3A)
      %scan3A_21 = arith.constant 0 : i32
      %scan3A_22 = arith.constant 0 : i32
      %scan3A_23 = arith.constant 16 : i32
      %scan3A_24 = arith.addi %scan3A_22, %scan3A_23 : i32
      %scan3A_25 = arith.constant 1 : i32
      %scan3A_26 = scf.for %scan3A_108 = %scan3A_22 to %scan3A_24 step %scan3A_25 iter_args(%scan3A_109 = %scan3A_21) -> (i32)  : i32 {
        %mul3A_110 = arith.constant 6560 : i32
        %mul3A_111 = arith.muli %scan3A_108, %mul3A_110 : i32
        %add3A_112 = arith.addi %mul3A_0, %mul3A_111 : i32
        "tpu.region"() ({
          %run_scoped3A = tpu.sem_alloc : memref<!tpu.dma_semaphore, #tpu.memory_space<semaphore_mem>>
          %dma_start3A = tpu.memref_slice %arg3[%add3A_112] : memref<1679360xi32, #tpu.memory_space<hbm>> -> memref<6560xi32, #tpu.memory_space<hbm>>
          %dma_start3A_122 = tpu.memref_slice %arg3[%add3A_112] : memref<1679360xi32, #tpu.memory_space<hbm>> -> memref<6560xi32, #tpu.memory_space<hbm>>
          tpu.enqueue_dma source(%dma_start3A_122 : memref<6560xi32, #tpu.memory_space<hbm>>) target(%arg6 : memref<6560xi32, #tpu.memory_space<vmem>>) target_semaphore(%run_scoped3A : memref<!tpu.dma_semaphore, #tpu.memory_space<semaphore_mem>>)
          %dma_wait3A = tpu.memref_slice %arg3[%add3A_112] : memref<1679360xi32, #tpu.memory_space<hbm>> -> memref<6560xi32, #tpu.memory_space<hbm>>
          %dma_wait3A_123 = tpu.memref_slice %arg3[%add3A_112] : memref<1679360xi32, #tpu.memory_space<hbm>> -> memref<6560xi32, #tpu.memory_space<hbm>>
          tpu.wait_dma2 semaphore(%run_scoped3A : memref<!tpu.dma_semaphore, #tpu.memory_space<semaphore_mem>>) src(%dma_wait3A_123 : memref<6560xi32, #tpu.memory_space<hbm>>) dst(%arg6 : memref<6560xi32, #tpu.memory_space<vmem>>)
          tpu.yield
        }) : () -> ()
        "tpu.region"() ({
          %run_scoped3A = tpu.sem_alloc : memref<!tpu.dma_semaphore, #tpu.memory_space<semaphore_mem>>
          %dma_start3A = tpu.memref_slice %arg4[%add3A_112] : memref<1679360xf32, #tpu.memory_space<hbm>> -> memref<6560xf32, #tpu.memory_space<hbm>>
          %dma_start3A_122 = tpu.memref_slice %arg4[%add3A_112] : memref<1679360xf32, #tpu.memory_space<hbm>> -> memref<6560xf32, #tpu.memory_space<hbm>>
          tpu.enqueue_dma source(%dma_start3A_122 : memref<6560xf32, #tpu.memory_space<hbm>>) target(%arg7 : memref<6560xf32, #tpu.memory_space<vmem>>) target_semaphore(%run_scoped3A : memref<!tpu.dma_semaphore, #tpu.memory_space<semaphore_mem>>)
          %dma_wait3A = tpu.memref_slice %arg4[%add3A_112] : memref<1679360xf32, #tpu.memory_space<hbm>> -> memref<6560xf32, #tpu.memory_space<hbm>>
          %dma_wait3A_123 = tpu.memref_slice %arg4[%add3A_112] : memref<1679360xf32, #tpu.memory_space<hbm>> -> memref<6560xf32, #tpu.memory_space<hbm>>
          tpu.wait_dma2 semaphore(%run_scoped3A : memref<!tpu.dma_semaphore, #tpu.memory_space<semaphore_mem>>) src(%dma_wait3A_123 : memref<6560xf32, #tpu.memory_space<hbm>>) dst(%arg7 : memref<6560xf32, #tpu.memory_space<vmem>>)
          tpu.yield
        }) : () -> ()
        %scan3A_113 = arith.constant 0 : i32
        %scan3A_114 = arith.constant 82 : i32
        %scan3A_115 = arith.addi %scan3A_113, %scan3A_114 : i32
        %scan3A_116 = arith.constant 1 : i32
        %scan3A_117 = scf.for %scan3A_122 = %scan3A_113 to %scan3A_115 step %scan3A_116 iter_args(%scan3A_123 = %scan3A_109) -> (i32)  : i32 {
          %mul3A_124 = arith.constant 80 : i32
          %mul3A_125 = arith.muli %scan3A_122, %mul3A_124 : i32
          %add3A_126 = arith.constant 0 : i32
          %add3A_127 = arith.addi %mul3A_125, %add3A_126 : i32
          %get3A = arith.index_cast %add3A_127 : i32 to index
          %get3A_128 = tpu.vector_load %arg6[%get3A] {strides = array<i32>} : memref<6560xi32, #tpu.memory_space<vmem>>, vector<16xi32>,
          %get3A_129 = arith.index_cast %add3A_127 : i32 to index
          %get3A_130 = tpu.vector_load %arg7[%get3A_129] {strides = array<i32>} : memref<6560xf32, #tpu.memory_space<vmem>>, vector<16xf32>,
          %sub3A_131 = vector.broadcast %add3A_15 : i32 to vector<16xi32>
          %sub3A_132 = arith.subi %get3A_128, %sub3A_131 : vector<16xi32>
          %lt3A = arith.constant 1048576 : i32
          %lt3A_133 = vector.broadcast %lt3A : i32 to vector<16xi32>
          %lt3A_134 = arith.cmpi ult, %sub3A_132, %lt3A_133 : vector<16xi32>
          %swap3A_135 = arith.index_cast %scan3A_123 : i32 to index
          %swap3A_136 = tpu.vector_load %arg8[%swap3A_135] masked %lt3A_134 {strides = array<i32>} : memref<16512xi32, #tpu.memory_space<vmem>>, vector<16xi32>, vector<16xi1>
          tpu.vector_store %arg8[%swap3A_135], %sub3A_132 masked %lt3A_134 {strides = array<i32>} : memref<16512xi32, #tpu.memory_space<vmem>>, vector<16xi32>, vector<16xi1>
          %swap3A_137 = arith.index_cast %scan3A_123 : i32 to index
          %swap3A_138 = tpu.vector_load %arg9[%swap3A_137] masked %lt3A_134 {strides = array<i32>} : memref<16512xf32, #tpu.memory_space<vmem>>, vector<16xf32>, vector<16xi1>
          tpu.vector_store %arg9[%swap3A_137], %get3A_130 masked %lt3A_134 {strides = array<i32>} : memref<16512xf32, #tpu.memory_space<vmem>>, vector<16xf32>, vector<16xi1>
          %all_reduce_population_count3A = tpu.all_reduce %lt3A_134 {dim = 0 : i64, kind = #tpu.reduction_kind<sum>} : vector<16xi1> -> vector<16xi32>
          %slice3A = vector.extract_strided_slice %all_reduce_population_count3A {offsets = [0], sizes = [1], strides = [1]} : vector<16xi32> to vector<1xi32>
          %squeeze3A = vector.extract %slice3A[0] : i32 from vector<1xi32>
          %add3A_139 = arith.addi %scan3A_123, %squeeze3A : i32
          %mul3A_140 = arith.constant 80 : i32
          %mul3A_141 = arith.muli %scan3A_122, %mul3A_140 : i32
          %add3A_142 = arith.constant 16 : i32
          %add3A_143 = arith.addi %mul3A_141, %add3A_142 : i32
          %get3A_144 = arith.index_cast %add3A_143 : i32 to index
          %get3A_145 = tpu.vector_load %arg6[%get3A_144] {strides = array<i32>} : memref<6560xi32, #tpu.memory_space<vmem>>, vector<16xi32>,
          %get3A_146 = arith.index_cast %add3A_143 : i32 to index
          %get3A_147 = tpu.vector_load %arg7[%get3A_146] {strides = array<i32>} : memref<6560xf32, #tpu.memory_space<vmem>>, vector<16xf32>,
          %sub3A_148 = vector.broadcast %add3A_15 : i32 to vector<16xi32>
          %sub3A_149 = arith.subi %get3A_145, %sub3A_148 : vector<16xi32>
          %lt3A_150 = arith.constant 1048576 : i32
          %lt3A_151 = vector.broadcast %lt3A_150 : i32 to vector<16xi32>
          %lt3A_152 = arith.cmpi ult, %sub3A_149, %lt3A_151 : vector<16xi32>
          %swap3A_153 = arith.index_cast %add3A_139 : i32 to index
          %swap3A_154 = tpu.vector_load %arg8[%swap3A_153] masked %lt3A_152 {strides = array<i32>} : memref<16512xi32, #tpu.memory_space<vmem>>, vector<16xi32>, vector<16xi1>
          tpu.vector_store %arg8[%swap3A_153], %sub3A_149 masked %lt3A_152 {strides = array<i32>} : memref<16512xi32, #tpu.memory_space<vmem>>, vector<16xi32>, vector<16xi1>
          %swap3A_155 = arith.index_cast %add3A_139 : i32 to index
          %swap3A_156 = tpu.vector_load %arg9[%swap3A_155] masked %lt3A_152 {strides = array<i32>} : memref<16512xf32, #tpu.memory_space<vmem>>, vector<16xf32>, vector<16xi1>
          tpu.vector_store %arg9[%swap3A_155], %get3A_147 masked %lt3A_152 {strides = array<i32>} : memref<16512xf32, #tpu.memory_space<vmem>>, vector<16xf32>, vector<16xi1>
          %all_reduce_population_count3A_157 = tpu.all_reduce %lt3A_152 {dim = 0 : i64, kind = #tpu.reduction_kind<sum>} : vector<16xi1> -> vector<16xi32>
          %slice3A_158 = vector.extract_strided_slice %all_reduce_population_count3A_157 {offsets = [0], sizes = [1], strides = [1]} : vector<16xi32> to vector<1xi32>
          %squeeze3A_159 = vector.extract %slice3A_158[0] : i32 from vector<1xi32>
          %add3A_160 = arith.addi %add3A_139, %squeeze3A_159 : i32
          %mul3A_161 = arith.constant 80 : i32
          %mul3A_162 = arith.muli %scan3A_122, %mul3A_161 : i32
          %add3A_163 = arith.constant 32 : i32
          %add3A_164 = arith.addi %mul3A_162, %add3A_163 : i32
          %get3A_165 = arith.index_cast %add3A_164 : i32 to index
          %get3A_166 = tpu.vector_load %arg6[%get3A_165] {strides = array<i32>} : memref<6560xi32, #tpu.memory_space<vmem>>, vector<16xi32>,
          %get3A_167 = arith.index_cast %add3A_164 : i32 to index
          %get3A_168 = tpu.vector_load %arg7[%get3A_167] {strides = array<i32>} : memref<6560xf32, #tpu.memory_space<vmem>>, vector<16xf32>,
          %sub3A_169 = vector.broadcast %add3A_15 : i32 to vector<16xi32>
          %sub3A_170 = arith.subi %get3A_166, %sub3A_169 : vector<16xi32>
          %lt3A_171 = arith.constant 1048576 : i32
          %lt3A_172 = vector.broadcast %lt3A_171 : i32 to vector<16xi32>
          %lt3A_173 = arith.cmpi ult, %sub3A_170, %lt3A_172 : vector<16xi32>
          %swap3A_174 = arith.index_cast %add3A_160 : i32 to index
          %swap3A_175 = tpu.vector_load %arg8[%swap3A_174] masked %lt3A_173 {strides = array<i32>} : memref<16512xi32, #tpu.memory_space<vmem>>, vector<16xi32>, vector<16xi1>
          tpu.vector_store %arg8[%swap3A_174], %sub3A_170 masked %lt3A_173 {strides = array<i32>} : memref<16512xi32, #tpu.memory_space<vmem>>, vector<16xi32>, vector<16xi1>
          %swap3A_176 = arith.index_cast %add3A_160 : i32 to index
          %swap3A_177 = tpu.vector_load %arg9[%swap3A_176] masked %lt3A_173 {strides = array<i32>} : memref<16512xf32, #tpu.memory_space<vmem>>, vector<16xf32>, vector<16xi1>
          tpu.vector_store %arg9[%swap3A_176], %get3A_168 masked %lt3A_173 {strides = array<i32>} : memref<16512xf32, #tpu.memory_space<vmem>>, vector<16xf32>, vector<16xi1>
          %all_reduce_population_count3A_178 = tpu.all_reduce %lt3A_173 {dim = 0 : i64, kind = #tpu.reduction_kind<sum>} : vector<16xi1> -> vector<16xi32>
          %slice3A_179 = vector.extract_strided_slice %all_reduce_population_count3A_178 {offsets = [0], sizes = [1], strides = [1]} : vector<16xi32> to vector<1xi32>
          %squeeze3A_180 = vector.extract %slice3A_179[0] : i32 from vector<1xi32>
          %add3A_181 = arith.addi %add3A_160, %squeeze3A_180 : i32
          %mul3A_182 = arith.constant 80 : i32
          %mul3A_183 = arith.muli %scan3A_122, %mul3A_182 : i32
          %add3A_184 = arith.constant 48 : i32
          %add3A_185 = arith.addi %mul3A_183, %add3A_184 : i32
          %get3A_186 = arith.index_cast %add3A_185 : i32 to index
          %get3A_187 = tpu.vector_load %arg6[%get3A_186] {strides = array<i32>} : memref<6560xi32, #tpu.memory_space<vmem>>, vector<16xi32>,
          %get3A_188 = arith.index_cast %add3A_185 : i32 to index
          %get3A_189 = tpu.vector_load %arg7[%get3A_188] {strides = array<i32>} : memref<6560xf32, #tpu.memory_space<vmem>>, vector<16xf32>,
          %sub3A_190 = vector.broadcast %add3A_15 : i32 to vector<16xi32>
          %sub3A_191 = arith.subi %get3A_187, %sub3A_190 : vector<16xi32>
          %lt3A_192 = arith.constant 1048576 : i32
          %lt3A_193 = vector.broadcast %lt3A_192 : i32 to vector<16xi32>
          %lt3A_194 = arith.cmpi ult, %sub3A_191, %lt3A_193 : vector<16xi32>
          %swap3A_195 = arith.index_cast %add3A_181 : i32 to index
          %swap3A_196 = tpu.vector_load %arg8[%swap3A_195] masked %lt3A_194 {strides = array<i32>} : memref<16512xi32, #tpu.memory_space<vmem>>, vector<16xi32>, vector<16xi1>
          tpu.vector_store %arg8[%swap3A_195], %sub3A_191 masked %lt3A_194 {strides = array<i32>} : memref<16512xi32, #tpu.memory_space<vmem>>, vector<16xi32>, vector<16xi1>
          %swap3A_197 = arith.index_cast %add3A_181 : i32 to index
          %swap3A_198 = tpu.vector_load %arg9[%swap3A_197] masked %lt3A_194 {strides = array<i32>} : memref<16512xf32, #tpu.memory_space<vmem>>, vector<16xf32>, vector<16xi1>
          tpu.vector_store %arg9[%swap3A_197], %get3A_189 masked %lt3A_194 {strides = array<i32>} : memref<16512xf32, #tpu.memory_space<vmem>>, vector<16xf32>, vector<16xi1>
          %all_reduce_population_count3A_199 = tpu.all_reduce %lt3A_194 {dim = 0 : i64, kind = #tpu.reduction_kind<sum>} : vector<16xi1> -> vector<16xi32>
          %slice3A_200 = vector.extract_strided_slice %all_reduce_population_count3A_199 {offsets = [0], sizes = [1], strides = [1]} : vector<16xi32> to vector<1xi32>
          %squeeze3A_201 = vector.extract %slice3A_200[0] : i32 from vector<1xi32>
          %add3A_202 = arith.addi %add3A_181, %squeeze3A_201 : i32
          %mul3A_203 = arith.constant 80 : i32
          %mul3A_204 = arith.muli %scan3A_122, %mul3A_203 : i32
          %add3A_205 = arith.constant 64 : i32
          %add3A_206 = arith.addi %mul3A_204, %add3A_205 : i32
          %get3A_207 = arith.index_cast %add3A_206 : i32 to index
          %get3A_208 = tpu.vector_load %arg6[%get3A_207] {strides = array<i32>} : memref<6560xi32, #tpu.memory_space<vmem>>, vector<16xi32>,
          %get3A_209 = arith.index_cast %add3A_206 : i32 to index
          %get3A_210 = tpu.vector_load %arg7[%get3A_209] {strides = array<i32>} : memref<6560xf32, #tpu.memory_space<vmem>>, vector<16xf32>,
          %sub3A_211 = vector.broadcast %add3A_15 : i32 to vector<16xi32>
          %sub3A_212 = arith.subi %get3A_208, %sub3A_211 : vector<16xi32>
          %lt3A_213 = arith.constant 1048576 : i32
          %lt3A_214 = vector.broadcast %lt3A_213 : i32 to vector<16xi32>
          %lt3A_215 = arith.cmpi ult, %sub3A_212, %lt3A_214 : vector<16xi32>
          %swap3A_216 = arith.index_cast %add3A_202 : i32 to index
          %swap3A_217 = tpu.vector_load %arg8[%swap3A_216] masked %lt3A_215 {strides = array<i32>} : memref<16512xi32, #tpu.memory_space<vmem>>, vector<16xi32>, vector<16xi1>
          tpu.vector_store %arg8[%swap3A_216], %sub3A_212 masked %lt3A_215 {strides = array<i32>} : memref<16512xi32, #tpu.memory_space<vmem>>, vector<16xi32>, vector<16xi1>
          %swap3A_218 = arith.index_cast %add3A_202 : i32 to index
          %swap3A_219 = tpu.vector_load %arg9[%swap3A_218] masked %lt3A_215 {strides = array<i32>} : memref<16512xf32, #tpu.memory_space<vmem>>, vector<16xf32>, vector<16xi1>
          tpu.vector_store %arg9[%swap3A_218], %get3A_210 masked %lt3A_215 {strides = array<i32>} : memref<16512xf32, #tpu.memory_space<vmem>>, vector<16xf32>, vector<16xi1>
          %all_reduce_population_count3A_220 = tpu.all_reduce %lt3A_215 {dim = 0 : i64, kind = #tpu.reduction_kind<sum>} : vector<16xi1> -> vector<16xi32>
          %slice3A_221 = vector.extract_strided_slice %all_reduce_population_count3A_220 {offsets = [0], sizes = [1], strides = [1]} : vector<16xi32> to vector<1xi32>
          %squeeze3A_222 = vector.extract %slice3A_221[0] : i32 from vector<1xi32>
          %add3A_223 = arith.addi %add3A_202, %squeeze3A_222 : i32
          scf.yield %add3A_223 : i32
        }
        %scan3A_118 = arith.constant 82 : i32
        %ge3A = arith.constant 9824 : i32
        %ge3A_119 = arith.cmpi sge, %scan3A_117, %ge3A : i32
        %convert_element_type3A = arith.extui %ge3A_119 : i1 to i32
        %cond3A = arith.constant 0 : i32
        %cond3A_120 = arith.cmpi ne, %convert_element_type3A, %cond3A : i32
        %cond3A_121 = scf.if %cond3A_120 -> (i32) {
          %add3A_122 = arith.constant 0 : i32
          %add3A_123 = arith.addi %scan3A_117, %add3A_122 : i32
          %swap3A_124 = arith.index_cast %add3A_123 : i32 to index
          %swap3A_125 = tpu.vector_load %arg8[%swap3A_124] {strides = array<i32>} : memref<16512xi32, #tpu.memory_space<vmem>>, vector<16xi32>,
          tpu.vector_store %arg8[%swap3A_124], %add3A {strides = array<i32>} : memref<16512xi32, #tpu.memory_space<vmem>>, vector<16xi32>,
          %add3A_126 = arith.constant 16 : i32
          %add3A_127 = arith.addi %scan3A_117, %add3A_126 : i32
          %swap3A_128 = arith.index_cast %add3A_127 : i32 to index
          %swap3A_129 = tpu.vector_load %arg8[%swap3A_128] {strides = array<i32>} : memref<16512xi32, #tpu.memory_space<vmem>>, vector<16xi32>,
          tpu.vector_store %arg8[%swap3A_128], %add3A {strides = array<i32>} : memref<16512xi32, #tpu.memory_space<vmem>>, vector<16xi32>,
          %add3A_130 = arith.constant 32 : i32
          %add3A_131 = arith.addi %scan3A_117, %add3A_130 : i32
          %swap3A_132 = arith.index_cast %add3A_131 : i32 to index
          %swap3A_133 = tpu.vector_load %arg8[%swap3A_132] {strides = array<i32>} : memref<16512xi32, #tpu.memory_space<vmem>>, vector<16xi32>,
          tpu.vector_store %arg8[%swap3A_132], %add3A {strides = array<i32>} : memref<16512xi32, #tpu.memory_space<vmem>>, vector<16xi32>,
          %add3A_134 = arith.constant 48 : i32
          %add3A_135 = arith.addi %scan3A_117, %add3A_134 : i32
          %swap3A_136 = arith.index_cast %add3A_135 : i32 to index
          %swap3A_137 = tpu.vector_load %arg8[%swap3A_136] {strides = array<i32>} : memref<16512xi32, #tpu.memory_space<vmem>>, vector<16xi32>,
          tpu.vector_store %arg8[%swap3A_136], %add3A {strides = array<i32>} : memref<16512xi32, #tpu.memory_space<vmem>>, vector<16xi32>,
          %add3A_138 = arith.constant 64 : i32
          %add3A_139 = arith.addi %scan3A_117, %add3A_138 : i32
          %swap3A_140 = arith.index_cast %add3A_139 : i32 to index
          %swap3A_141 = tpu.vector_load %arg8[%swap3A_140] {strides = array<i32>} : memref<16512xi32, #tpu.memory_space<vmem>>, vector<16xi32>,
          tpu.vector_store %arg8[%swap3A_140], %add3A {strides = array<i32>} : memref<16512xi32, #tpu.memory_space<vmem>>, vector<16xi32>,
          %add3A_142 = arith.constant 80 : i32
          %add3A_143 = arith.addi %scan3A_117, %add3A_142 : i32
          %swap3A_144 = arith.index_cast %add3A_143 : i32 to index
          %swap3A_145 = tpu.vector_load %arg8[%swap3A_144] {strides = array<i32>} : memref<16512xi32, #tpu.memory_space<vmem>>, vector<16xi32>,
          tpu.vector_store %arg8[%swap3A_144], %add3A {strides = array<i32>} : memref<16512xi32, #tpu.memory_space<vmem>>, vector<16xi32>,
          %add3A_146 = arith.constant 96 : i32
          %add3A_147 = arith.addi %scan3A_117, %add3A_146 : i32
          %swap3A_148 = arith.index_cast %add3A_147 : i32 to index
          %swap3A_149 = tpu.vector_load %arg8[%swap3A_148] {strides = array<i32>} : memref<16512xi32, #tpu.memory_space<vmem>>, vector<16xi32>,
          tpu.vector_store %arg8[%swap3A_148], %add3A {strides = array<i32>} : memref<16512xi32, #tpu.memory_space<vmem>>, vector<16xi32>,
          %add3A_150 = arith.constant 112 : i32
          %add3A_151 = arith.addi %scan3A_117, %add3A_150 : i32
          %swap3A_152 = arith.index_cast %add3A_151 : i32 to index
          %swap3A_153 = tpu.vector_load %arg8[%swap3A_152] {strides = array<i32>} : memref<16512xi32, #tpu.memory_space<vmem>>, vector<16xi32>,
          tpu.vector_store %arg8[%swap3A_152], %add3A {strides = array<i32>} : memref<16512xi32, #tpu.memory_space<vmem>>, vector<16xi32>,
          %add3A_154 = arith.constant 127 : i32
          %add3A_155 = arith.addi %scan3A_117, %add3A_154 : i32
          %jit3A_156 = arith.constant 128 : i32
          %div3A_157 = arith.divsi %add3A_155, %jit3A_156 : i32
          %sign3A_158 = arith.constant 0 : i32
          %sign3A_159 = arith.cmpi sgt, %add3A_155, %sign3A_158 : i32
          %sign3A_160 = arith.extui %sign3A_159 : i1 to i32
          %sign3A_161 = arith.constant 0 : i32
          %sign3A_162 = arith.cmpi slt, %add3A_155, %sign3A_161 : i32
          %sign3A_163 = arith.extui %sign3A_162 : i1 to i32
          %sign3A_164 = arith.subi %sign3A_160, %sign3A_163 : i32
          %sign3A_165 = arith.constant 0 : i32
          %sign3A_166 = arith.cmpi sgt, %jit3A_156, %sign3A_165 : i32
          %sign3A_167 = arith.extui %sign3A_166 : i1 to i32
          %sign3A_168 = arith.constant 0 : i32
          %sign3A_169 = arith.cmpi slt, %jit3A_156, %sign3A_168 : i32
          %sign3A_170 = arith.extui %sign3A_169 : i1 to i32
          %sign3A_171 = arith.subi %sign3A_167, %sign3A_170 : i32
          %ne3A_172 = arith.cmpi ne, %sign3A_164, %sign3A_171 : i32
          %rem3A_173 = arith.remsi %add3A_155, %jit3A_156 : i32
          %ne3A_174 = arith.constant 0 : i32
          %ne3A_175 = arith.cmpi ne, %rem3A_173, %ne3A_174 : i32
          %and3A_176 = arith.andi %ne3A_172, %ne3A_175 : i1
          %sub3A_177 = arith.constant 1 : i32
          %sub3A_178 = arith.subi %div3A_157, %sub3A_177 : i32
          %select_n3A_179 = arith.select %and3A_176, %sub3A_178, %div3A_157 : i32
          %while3A_180 = arith.constant 0 : i32
          %while3A_181 = arith.constant 0 : i32
          %while3A_182 = arith.subi %select_n3A_179, %while3A_180 : i32
          %while3A_183 = arith.addi %while3A_180, %while3A_182 : i32
          %while3A_184 = arith.constant 1 : i32
          %while3A_185 = arith.divsi %while3A_182, %while3A_184 : i32
          %while3A_186 = arith.muli %while3A_185, %while3A_184 : i32
          %while3A_187 = arith.addi %while3A_180, %while3A_186 : i32
          %while3A_188 = arith.constant 1 : i32
          %while3A_189 = scf.for %while3A_207 = %while3A_180 to %while3A_187 step %while3A_188 iter_args(%while3A_208 = %while3A_181) -> (i32)  : i32 {
            %mul3A_209 = arith.constant 128 : i32
            %mul3A_210 = arith.muli %while3A_207, %mul3A_209 : i32
            %mul3A_211 = arith.constant 128 : i32
            %mul3A_212 = arith.muli %while3A_207, %mul3A_211 : i32
            %dma_start3A = tpu.memref_slice %arg9[%mul3A_210] : memref<16512xf32, #tpu.memory_space<vmem>> -> memref<128xf32, #tpu.memory_space<vmem>>
            %dma_start3A_213 = tpu.memref_slice %arg8[%mul3A_212] : memref<16512xi32, #tpu.memory_space<vmem>> -> memref<128xi32, #tpu.memory_space<vmem>>
            %dma_start3A_214 = arith.constant 0 : i32
            %dma_start3A_215 = tpu.memref_slice %arg10[%dma_start3A_214] : memref<1048592xf32, #tpu.memory_space<vmem_shared>> -> memref<1048592xf32, #tpu.memory_space<vmem_shared>>
            tpu.enqueue_indirect_dma source(%dma_start3A : memref<128xf32, #tpu.memory_space<vmem>>) target(%dma_start3A_215 : memref<1048592xf32, #tpu.memory_space<vmem_shared>>) offsets(%dma_start3A_213 : memref<128xi32, #tpu.memory_space<vmem>>) semaphore(%arg11 : memref<!tpu.dma_semaphore, #tpu.memory_space<semaphore_mem>>)
            %ge3A_216 = arith.constant 8 : i32
            %ge3A_217 = arith.cmpi sge, %while3A_207, %ge3A_216 : i32
            %convert_element_type3A_218 = arith.extui %ge3A_217 : i1 to i32
            %cond3A_219 = arith.constant 0 : i32
            %cond3A_220 = arith.cmpi ne, %convert_element_type3A_218, %cond3A_219 : i32
            scf.if %cond3A_220 {
              %dma_wait3A = arith.constant 0 : i32
              %dma_wait3A_222 = tpu.memref_slice %arg9[%dma_wait3A] : memref<16512xf32, #tpu.memory_space<vmem>> -> memref<128xf32, #tpu.memory_space<vmem>>
              %dma_wait3A_223 = arith.constant 0 : i32
              %dma_wait3A_224 = tpu.memref_slice %arg8[%dma_wait3A_223] : memref<16512xi32, #tpu.memory_space<vmem>> -> memref<128xi32, #tpu.memory_space<vmem>>
              %dma_wait3A_225 = arith.constant 0 : i32
              %dma_wait3A_226 = tpu.memref_slice %arg10[%dma_wait3A_225] : memref<1048592xf32, #tpu.memory_space<vmem_shared>> -> memref<1048592xf32, #tpu.memory_space<vmem_shared>>
              tpu.wait_indirect_dma semaphore(%arg11 : memref<!tpu.dma_semaphore, #tpu.memory_space<semaphore_mem>>) src(%dma_wait3A_222 : memref<128xf32, #tpu.memory_space<vmem>>) dst(%dma_wait3A_226 : memref<1048592xf32, #tpu.memory_space<vmem_shared>>)
            } else {
            }
            %while3A_221 = arith.constant 0 : i32
            scf.yield %while3A_221 : i32
          }
          %while3A_190 = arith.constant 1 : i32
          %while3A_191 = scf.for %while3A_207 = %while3A_187 to %while3A_183 step %while3A_190 iter_args(%while3A_208 = %while3A_189) -> (i32)  : i32 {
            %mul3A_209 = arith.constant 128 : i32
            %mul3A_210 = arith.muli %while3A_207, %mul3A_209 : i32
            %mul3A_211 = arith.constant 128 : i32
            %mul3A_212 = arith.muli %while3A_207, %mul3A_211 : i32
            %dma_start3A = tpu.memref_slice %arg9[%mul3A_210] : memref<16512xf32, #tpu.memory_space<vmem>> -> memref<128xf32, #tpu.memory_space<vmem>>
            %dma_start3A_213 = tpu.memref_slice %arg8[%mul3A_212] : memref<16512xi32, #tpu.memory_space<vmem>> -> memref<128xi32, #tpu.memory_space<vmem>>
            %dma_start3A_214 = arith.constant 0 : i32
            %dma_start3A_215 = tpu.memref_slice %arg10[%dma_start3A_214] : memref<1048592xf32, #tpu.memory_space<vmem_shared>> -> memref<1048592xf32, #tpu.memory_space<vmem_shared>>
            tpu.enqueue_indirect_dma source(%dma_start3A : memref<128xf32, #tpu.memory_space<vmem>>) target(%dma_start3A_215 : memref<1048592xf32, #tpu.memory_space<vmem_shared>>) offsets(%dma_start3A_213 : memref<128xi32, #tpu.memory_space<vmem>>) semaphore(%arg11 : memref<!tpu.dma_semaphore, #tpu.memory_space<semaphore_mem>>)
            %ge3A_216 = arith.constant 8 : i32
            %ge3A_217 = arith.cmpi sge, %while3A_207, %ge3A_216 : i32
            %convert_element_type3A_218 = arith.extui %ge3A_217 : i1 to i32
            %cond3A_219 = arith.constant 0 : i32
            %cond3A_220 = arith.cmpi ne, %convert_element_type3A_218, %cond3A_219 : i32
            scf.if %cond3A_220 {
              %dma_wait3A = arith.constant 0 : i32
              %dma_wait3A_222 = tpu.memref_slice %arg9[%dma_wait3A] : memref<16512xf32, #tpu.memory_space<vmem>> -> memref<128xf32, #tpu.memory_space<vmem>>
              %dma_wait3A_223 = arith.constant 0 : i32
              %dma_wait3A_224 = tpu.memref_slice %arg8[%dma_wait3A_223] : memref<16512xi32, #tpu.memory_space<vmem>> -> memref<128xi32, #tpu.memory_space<vmem>>
              %dma_wait3A_225 = arith.constant 0 : i32
              %dma_wait3A_226 = tpu.memref_slice %arg10[%dma_wait3A_225] : memref<1048592xf32, #tpu.memory_space<vmem_shared>> -> memref<1048592xf32, #tpu.memory_space<vmem_shared>>
              tpu.wait_indirect_dma semaphore(%arg11 : memref<!tpu.dma_semaphore, #tpu.memory_space<semaphore_mem>>) src(%dma_wait3A_222 : memref<128xf32, #tpu.memory_space<vmem>>) dst(%dma_wait3A_226 : memref<1048592xf32, #tpu.memory_space<vmem_shared>>)
            } else {
            }
            %while3A_221 = arith.constant 0 : i32
            scf.yield %while3A_221 : i32
          }
          %min3A_192 = arith.constant 8 : i32
          %min3A_193 = arith.minsi %select_n3A_179, %min3A_192 : i32
          %while3A_194 = arith.constant 0 : i32
          %while3A_195 = arith.constant 0 : i32
          %while3A_196 = arith.subi %min3A_193, %while3A_194 : i32
          %while3A_197 = arith.addi %while3A_194, %while3A_196 : i32
          %while3A_198 = arith.constant 1 : i32
          %while3A_199 = arith.divsi %while3A_196, %while3A_198 : i32
          %while3A_200 = arith.muli %while3A_199, %while3A_198 : i32
          %while3A_201 = arith.addi %while3A_194, %while3A_200 : i32
          %while3A_202 = arith.constant 1 : i32
          %while3A_203 = scf.for %while3A_207 = %while3A_194 to %while3A_201 step %while3A_202 iter_args(%while3A_208 = %while3A_195) -> (i32)  : i32 {
            %dma_wait3A = arith.constant 0 : i32
            %dma_wait3A_209 = tpu.memref_slice %arg9[%dma_wait3A] : memref<16512xf32, #tpu.memory_space<vmem>> -> memref<128xf32, #tpu.memory_space<vmem>>
            %dma_wait3A_210 = arith.constant 0 : i32
            %dma_wait3A_211 = tpu.memref_slice %arg8[%dma_wait3A_210] : memref<16512xi32, #tpu.memory_space<vmem>> -> memref<128xi32, #tpu.memory_space<vmem>>
            %dma_wait3A_212 = arith.constant 0 : i32
            %dma_wait3A_213 = tpu.memref_slice %arg10[%dma_wait3A_212] : memref<1048592xf32, #tpu.memory_space<vmem_shared>> -> memref<1048592xf32, #tpu.memory_space<vmem_shared>>
            tpu.wait_indirect_dma semaphore(%arg11 : memref<!tpu.dma_semaphore, #tpu.memory_space<semaphore_mem>>) src(%dma_wait3A_209 : memref<128xf32, #tpu.memory_space<vmem>>) dst(%dma_wait3A_213 : memref<1048592xf32, #tpu.memory_space<vmem_shared>>)
            %while3A_214 = arith.constant 0 : i32
            scf.yield %while3A_214 : i32
          }
          %while3A_204 = arith.constant 1 : i32
          %while3A_205 = scf.for %while3A_207 = %while3A_201 to %while3A_197 step %while3A_204 iter_args(%while3A_208 = %while3A_203) -> (i32)  : i32 {
            %dma_wait3A = arith.constant 0 : i32
            %dma_wait3A_209 = tpu.memref_slice %arg9[%dma_wait3A] : memref<16512xf32, #tpu.memory_space<vmem>> -> memref<128xf32, #tpu.memory_space<vmem>>
            %dma_wait3A_210 = arith.constant 0 : i32
            %dma_wait3A_211 = tpu.memref_slice %arg8[%dma_wait3A_210] : memref<16512xi32, #tpu.memory_space<vmem>> -> memref<128xi32, #tpu.memory_space<vmem>>
            %dma_wait3A_212 = arith.constant 0 : i32
            %dma_wait3A_213 = tpu.memref_slice %arg10[%dma_wait3A_212] : memref<1048592xf32, #tpu.memory_space<vmem_shared>> -> memref<1048592xf32, #tpu.memory_space<vmem_shared>>
            tpu.wait_indirect_dma semaphore(%arg11 : memref<!tpu.dma_semaphore, #tpu.memory_space<semaphore_mem>>) src(%dma_wait3A_209 : memref<128xf32, #tpu.memory_space<vmem>>) dst(%dma_wait3A_213 : memref<1048592xf32, #tpu.memory_space<vmem_shared>>)
            %while3A_214 = arith.constant 0 : i32
            scf.yield %while3A_214 : i32
          }
          %cond3A_206 = arith.constant 0 : i32
          scf.yield %cond3A_206 : i32
        } else {
          scf.yield %scan3A_117 : i32
        }
        scf.yield %cond3A_121 : i32
      }
      %scan3A_27 = arith.constant 16 : i32
      %add3A_28 = arith.constant 0 : i32
      %add3A_29 = arith.addi %scan3A_26, %add3A_28 : i32
      %swap3A = arith.index_cast %add3A_29 : i32 to index
      %swap3A_30 = tpu.vector_load %arg8[%swap3A] {strides = array<i32>} : memref<16512xi32, #tpu.memory_space<vmem>>, vector<16xi32>,
      tpu.vector_store %arg8[%swap3A], %add3A {strides = array<i32>} : memref<16512xi32, #tpu.memory_space<vmem>>, vector<16xi32>,
      %add3A_31 = arith.constant 16 : i32
      %add3A_32 = arith.addi %scan3A_26, %add3A_31 : i32
      %swap3A_33 = arith.index_cast %add3A_32 : i32 to index
      %swap3A_34 = tpu.vector_load %arg8[%swap3A_33] {strides = array<i32>} : memref<16512xi32, #tpu.memory_space<vmem>>, vector<16xi32>,
      tpu.vector_store %arg8[%swap3A_33], %add3A {strides = array<i32>} : memref<16512xi32, #tpu.memory_space<vmem>>, vector<16xi32>,
      %add3A_35 = arith.constant 32 : i32
      %add3A_36 = arith.addi %scan3A_26, %add3A_35 : i32
      %swap3A_37 = arith.index_cast %add3A_36 : i32 to index
      %swap3A_38 = tpu.vector_load %arg8[%swap3A_37] {strides = array<i32>} : memref<16512xi32, #tpu.memory_space<vmem>>, vector<16xi32>,
      tpu.vector_store %arg8[%swap3A_37], %add3A {strides = array<i32>} : memref<16512xi32, #tpu.memory_space<vmem>>, vector<16xi32>,
      %add3A_39 = arith.constant 48 : i32
      %add3A_40 = arith.addi %scan3A_26, %add3A_39 : i32
      %swap3A_41 = arith.index_cast %add3A_40 : i32 to index
      %swap3A_42 = tpu.vector_load %arg8[%swap3A_41] {strides = array<i32>} : memref<16512xi32, #tpu.memory_space<vmem>>, vector<16xi32>,
      tpu.vector_store %arg8[%swap3A_41], %add3A {strides = array<i32>} : memref<16512xi32, #tpu.memory_space<vmem>>, vector<16xi32>,
      %add3A_43 = arith.constant 64 : i32
      %add3A_44 = arith.addi %scan3A_26, %add3A_43 : i32
      %swap3A_45 = arith.index_cast %add3A_44 : i32 to index
      %swap3A_46 = tpu.vector_load %arg8[%swap3A_45] {strides = array<i32>} : memref<16512xi32, #tpu.memory_space<vmem>>, vector<16xi32>,
      tpu.vector_store %arg8[%swap3A_45], %add3A {strides = array<i32>} : memref<16512xi32, #tpu.memory_space<vmem>>, vector<16xi32>,
      %add3A_47 = arith.constant 80 : i32
      %add3A_48 = arith.addi %scan3A_26, %add3A_47 : i32
      %swap3A_49 = arith.index_cast %add3A_48 : i32 to index
      %swap3A_50 = tpu.vector_load %arg8[%swap3A_49] {strides = array<i32>} : memref<16512xi32, #tpu.memory_space<vmem>>, vector<16xi32>,
      tpu.vector_store %arg8[%swap3A_49], %add3A {strides = array<i32>} : memref<16512xi32, #tpu.memory_space<vmem>>, vector<16xi32>,
      %add3A_51 = arith.constant 96 : i32
      %add3A_52 = arith.addi %scan3A_26, %add3A_51 : i32
      %swap3A_53 = arith.index_cast %add3A_52 : i32 to index
      %swap3A_54 = tpu.vector_load %arg8[%swap3A_53] {strides = array<i32>} : memref<16512xi32, #tpu.memory_space<vmem>>, vector<16xi32>,
      tpu.vector_store %arg8[%swap3A_53], %add3A {strides = array<i32>} : memref<16512xi32, #tpu.memory_space<vmem>>, vector<16xi32>,
      %add3A_55 = arith.constant 112 : i32
      %add3A_56 = arith.addi %scan3A_26, %add3A_55 : i32
      %swap3A_57 = arith.index_cast %add3A_56 : i32 to index
      %swap3A_58 = tpu.vector_load %arg8[%swap3A_57] {strides = array<i32>} : memref<16512xi32, #tpu.memory_space<vmem>>, vector<16xi32>,
      tpu.vector_store %arg8[%swap3A_57], %add3A {strides = array<i32>} : memref<16512xi32, #tpu.memory_space<vmem>>, vector<16xi32>,
      %add3A_59 = arith.constant 127 : i32
      %add3A_60 = arith.addi %scan3A_26, %add3A_59 : i32
      %jit3A = arith.constant 128 : i32
      %div3A = arith.divsi %add3A_60, %jit3A : i32
      %sign3A = arith.constant 0 : i32
      %sign3A_61 = arith.cmpi sgt, %add3A_60, %sign3A : i32
      %sign3A_62 = arith.extui %sign3A_61 : i1 to i32
      %sign3A_63 = arith.constant 0 : i32
      %sign3A_64 = arith.cmpi slt, %add3A_60, %sign3A_63 : i32
      %sign3A_65 = arith.extui %sign3A_64 : i1 to i32
      %sign3A_66 = arith.subi %sign3A_62, %sign3A_65 : i32
      %sign3A_67 = arith.constant 0 : i32
      %sign3A_68 = arith.cmpi sgt, %jit3A, %sign3A_67 : i32
      %sign3A_69 = arith.extui %sign3A_68 : i1 to i32
      %sign3A_70 = arith.constant 0 : i32
      %sign3A_71 = arith.cmpi slt, %jit3A, %sign3A_70 : i32
      %sign3A_72 = arith.extui %sign3A_71 : i1 to i32
      %sign3A_73 = arith.subi %sign3A_69, %sign3A_72 : i32
      %ne3A = arith.cmpi ne, %sign3A_66, %sign3A_73 : i32
      %rem3A = arith.remsi %add3A_60, %jit3A : i32
      %ne3A_74 = arith.constant 0 : i32
      %ne3A_75 = arith.cmpi ne, %rem3A, %ne3A_74 : i32
      %and3A = arith.andi %ne3A, %ne3A_75 : i1
      %sub3A = arith.constant 1 : i32
      %sub3A_76 = arith.subi %div3A, %sub3A : i32
      %select_n3A = arith.select %and3A, %sub3A_76, %div3A : i32
      %while3A = arith.constant 0 : i32
      %while3A_77 = arith.constant 0 : i32
      %while3A_78 = arith.subi %select_n3A, %while3A : i32
      %while3A_79 = arith.addi %while3A, %while3A_78 : i32
      %while3A_80 = arith.constant 1 : i32
      %while3A_81 = arith.divsi %while3A_78, %while3A_80 : i32
      %while3A_82 = arith.muli %while3A_81, %while3A_80 : i32
      %while3A_83 = arith.addi %while3A, %while3A_82 : i32
      %while3A_84 = arith.constant 1 : i32
      %while3A_85 = scf.for %while3A_108 = %while3A to %while3A_83 step %while3A_84 iter_args(%while3A_109 = %while3A_77) -> (i32)  : i32 {
        %mul3A_110 = arith.constant 128 : i32
        %mul3A_111 = arith.muli %while3A_108, %mul3A_110 : i32
        %mul3A_112 = arith.constant 128 : i32
        %mul3A_113 = arith.muli %while3A_108, %mul3A_112 : i32
        %dma_start3A = tpu.memref_slice %arg9[%mul3A_111] : memref<16512xf32, #tpu.memory_space<vmem>> -> memref<128xf32, #tpu.memory_space<vmem>>
        %dma_start3A_114 = tpu.memref_slice %arg8[%mul3A_113] : memref<16512xi32, #tpu.memory_space<vmem>> -> memref<128xi32, #tpu.memory_space<vmem>>
        %dma_start3A_115 = arith.constant 0 : i32
        %dma_start3A_116 = tpu.memref_slice %arg10[%dma_start3A_115] : memref<1048592xf32, #tpu.memory_space<vmem_shared>> -> memref<1048592xf32, #tpu.memory_space<vmem_shared>>
        tpu.enqueue_indirect_dma source(%dma_start3A : memref<128xf32, #tpu.memory_space<vmem>>) target(%dma_start3A_116 : memref<1048592xf32, #tpu.memory_space<vmem_shared>>) offsets(%dma_start3A_114 : memref<128xi32, #tpu.memory_space<vmem>>) semaphore(%arg11 : memref<!tpu.dma_semaphore, #tpu.memory_space<semaphore_mem>>)
        %ge3A = arith.constant 8 : i32
        %ge3A_117 = arith.cmpi sge, %while3A_108, %ge3A : i32
        %convert_element_type3A = arith.extui %ge3A_117 : i1 to i32
        %cond3A = arith.constant 0 : i32
        %cond3A_118 = arith.cmpi ne, %convert_element_type3A, %cond3A : i32
        scf.if %cond3A_118 {
          %dma_wait3A = arith.constant 0 : i32
          %dma_wait3A_120 = tpu.memref_slice %arg9[%dma_wait3A] : memref<16512xf32, #tpu.memory_space<vmem>> -> memref<128xf32, #tpu.memory_space<vmem>>
          %dma_wait3A_121 = arith.constant 0 : i32
          %dma_wait3A_122 = tpu.memref_slice %arg8[%dma_wait3A_121] : memref<16512xi32, #tpu.memory_space<vmem>> -> memref<128xi32, #tpu.memory_space<vmem>>
          %dma_wait3A_123 = arith.constant 0 : i32
          %dma_wait3A_124 = tpu.memref_slice %arg10[%dma_wait3A_123] : memref<1048592xf32, #tpu.memory_space<vmem_shared>> -> memref<1048592xf32, #tpu.memory_space<vmem_shared>>
          tpu.wait_indirect_dma semaphore(%arg11 : memref<!tpu.dma_semaphore, #tpu.memory_space<semaphore_mem>>) src(%dma_wait3A_120 : memref<128xf32, #tpu.memory_space<vmem>>) dst(%dma_wait3A_124 : memref<1048592xf32, #tpu.memory_space<vmem_shared>>)
        } else {
        }
        %while3A_119 = arith.constant 0 : i32
        scf.yield %while3A_119 : i32
      }
      %while3A_86 = arith.constant 1 : i32
      %while3A_87 = scf.for %while3A_108 = %while3A_83 to %while3A_79 step %while3A_86 iter_args(%while3A_109 = %while3A_85) -> (i32)  : i32 {
        %mul3A_110 = arith.constant 128 : i32
        %mul3A_111 = arith.muli %while3A_108, %mul3A_110 : i32
        %mul3A_112 = arith.constant 128 : i32
        %mul3A_113 = arith.muli %while3A_108, %mul3A_112 : i32
        %dma_start3A = tpu.memref_slice %arg9[%mul3A_111] : memref<16512xf32, #tpu.memory_space<vmem>> -> memref<128xf32, #tpu.memory_space<vmem>>
        %dma_start3A_114 = tpu.memref_slice %arg8[%mul3A_113] : memref<16512xi32, #tpu.memory_space<vmem>> -> memref<128xi32, #tpu.memory_space<vmem>>
        %dma_start3A_115 = arith.constant 0 : i32
        %dma_start3A_116 = tpu.memref_slice %arg10[%dma_start3A_115] : memref<1048592xf32, #tpu.memory_space<vmem_shared>> -> memref<1048592xf32, #tpu.memory_space<vmem_shared>>
        tpu.enqueue_indirect_dma source(%dma_start3A : memref<128xf32, #tpu.memory_space<vmem>>) target(%dma_start3A_116 : memref<1048592xf32, #tpu.memory_space<vmem_shared>>) offsets(%dma_start3A_114 : memref<128xi32, #tpu.memory_space<vmem>>) semaphore(%arg11 : memref<!tpu.dma_semaphore, #tpu.memory_space<semaphore_mem>>)
        %ge3A = arith.constant 8 : i32
        %ge3A_117 = arith.cmpi sge, %while3A_108, %ge3A : i32
        %convert_element_type3A = arith.extui %ge3A_117 : i1 to i32
        %cond3A = arith.constant 0 : i32
        %cond3A_118 = arith.cmpi ne, %convert_element_type3A, %cond3A : i32
        scf.if %cond3A_118 {
          %dma_wait3A = arith.constant 0 : i32
          %dma_wait3A_120 = tpu.memref_slice %arg9[%dma_wait3A] : memref<16512xf32, #tpu.memory_space<vmem>> -> memref<128xf32, #tpu.memory_space<vmem>>
          %dma_wait3A_121 = arith.constant 0 : i32
          %dma_wait3A_122 = tpu.memref_slice %arg8[%dma_wait3A_121] : memref<16512xi32, #tpu.memory_space<vmem>> -> memref<128xi32, #tpu.memory_space<vmem>>
          %dma_wait3A_123 = arith.constant 0 : i32
          %dma_wait3A_124 = tpu.memref_slice %arg10[%dma_wait3A_123] : memref<1048592xf32, #tpu.memory_space<vmem_shared>> -> memref<1048592xf32, #tpu.memory_space<vmem_shared>>
          tpu.wait_indirect_dma semaphore(%arg11 : memref<!tpu.dma_semaphore, #tpu.memory_space<semaphore_mem>>) src(%dma_wait3A_120 : memref<128xf32, #tpu.memory_space<vmem>>) dst(%dma_wait3A_124 : memref<1048592xf32, #tpu.memory_space<vmem_shared>>)
        } else {
        }
        %while3A_119 = arith.constant 0 : i32
        scf.yield %while3A_119 : i32
      }
      %min3A = arith.constant 8 : i32
      %min3A_88 = arith.minsi %select_n3A, %min3A : i32
      %while3A_89 = arith.constant 0 : i32
      %while3A_90 = arith.constant 0 : i32
      %while3A_91 = arith.subi %min3A_88, %while3A_89 : i32
      %while3A_92 = arith.addi %while3A_89, %while3A_91 : i32
      %while3A_93 = arith.constant 1 : i32
      %while3A_94 = arith.divsi %while3A_91, %while3A_93 : i32
      %while3A_95 = arith.muli %while3A_94, %while3A_93 : i32
      %while3A_96 = arith.addi %while3A_89, %while3A_95 : i32
      %while3A_97 = arith.constant 1 : i32
      %while3A_98 = scf.for %while3A_108 = %while3A_89 to %while3A_96 step %while3A_97 iter_args(%while3A_109 = %while3A_90) -> (i32)  : i32 {
        %dma_wait3A = arith.constant 0 : i32
        %dma_wait3A_110 = tpu.memref_slice %arg9[%dma_wait3A] : memref<16512xf32, #tpu.memory_space<vmem>> -> memref<128xf32, #tpu.memory_space<vmem>>
        %dma_wait3A_111 = arith.constant 0 : i32
        %dma_wait3A_112 = tpu.memref_slice %arg8[%dma_wait3A_111] : memref<16512xi32, #tpu.memory_space<vmem>> -> memref<128xi32, #tpu.memory_space<vmem>>
        %dma_wait3A_113 = arith.constant 0 : i32
        %dma_wait3A_114 = tpu.memref_slice %arg10[%dma_wait3A_113] : memref<1048592xf32, #tpu.memory_space<vmem_shared>> -> memref<1048592xf32, #tpu.memory_space<vmem_shared>>
        tpu.wait_indirect_dma semaphore(%arg11 : memref<!tpu.dma_semaphore, #tpu.memory_space<semaphore_mem>>) src(%dma_wait3A_110 : memref<128xf32, #tpu.memory_space<vmem>>) dst(%dma_wait3A_114 : memref<1048592xf32, #tpu.memory_space<vmem_shared>>)
        %while3A_115 = arith.constant 0 : i32
        scf.yield %while3A_115 : i32
      }
      %while3A_99 = arith.constant 1 : i32
      %while3A_100 = scf.for %while3A_108 = %while3A_96 to %while3A_92 step %while3A_99 iter_args(%while3A_109 = %while3A_98) -> (i32)  : i32 {
        %dma_wait3A = arith.constant 0 : i32
        %dma_wait3A_110 = tpu.memref_slice %arg9[%dma_wait3A] : memref<16512xf32, #tpu.memory_space<vmem>> -> memref<128xf32, #tpu.memory_space<vmem>>
        %dma_wait3A_111 = arith.constant 0 : i32
        %dma_wait3A_112 = tpu.memref_slice %arg8[%dma_wait3A_111] : memref<16512xi32, #tpu.memory_space<vmem>> -> memref<128xi32, #tpu.memory_space<vmem>>
        %dma_wait3A_113 = arith.constant 0 : i32
        %dma_wait3A_114 = tpu.memref_slice %arg10[%dma_wait3A_113] : memref<1048592xf32, #tpu.memory_space<vmem_shared>> -> memref<1048592xf32, #tpu.memory_space<vmem_shared>>
        tpu.wait_indirect_dma semaphore(%arg11 : memref<!tpu.dma_semaphore, #tpu.memory_space<semaphore_mem>>) src(%dma_wait3A_110 : memref<128xf32, #tpu.memory_space<vmem>>) dst(%dma_wait3A_114 : memref<1048592xf32, #tpu.memory_space<vmem_shared>>)
        %while3A_115 = arith.constant 0 : i32
        scf.yield %while3A_115 : i32
      }
      %barrier3A_101 = arith.constant 0 : index
      tpu.barrier barrier_id(%barrier3A_101)
      %mul3A_102 = arith.constant 65536 : i32
      %mul3A_103 = arith.muli %arg1, %mul3A_102 : i32
      %mul3A_104 = arith.constant 65536 : i32
      %mul3A_105 = arith.muli %arg1, %mul3A_104 : i32
      %add3A_106 = arith.addi %add3A_15, %mul3A_105 : i32
      "tpu.region"() ({
        %run_scoped3A = tpu.sem_alloc : memref<!tpu.dma_semaphore, #tpu.memory_space<semaphore_mem>>
        %dma_start3A = tpu.memref_slice %arg5[%add3A_106] : memref<16777216xf32, #tpu.memory_space<hbm>> -> memref<65536xf32, #tpu.memory_space<hbm>>
        %dma_start3A_108 = tpu.memref_slice %arg10[%mul3A_103] : memref<1048592xf32, #tpu.memory_space<vmem_shared>> -> memref<65536xf32, #tpu.memory_space<vmem_shared>>
        tpu.enqueue_dma source(%dma_start3A_108 : memref<65536xf32, #tpu.memory_space<vmem_shared>>) target(%dma_start3A : memref<65536xf32, #tpu.memory_space<hbm>>) target_semaphore(%run_scoped3A : memref<!tpu.dma_semaphore, #tpu.memory_space<semaphore_mem>>)
        %dma_wait3A = tpu.memref_slice %arg5[%add3A_106] : memref<16777216xf32, #tpu.memory_space<hbm>> -> memref<65536xf32, #tpu.memory_space<hbm>>
        %dma_wait3A_109 = tpu.memref_slice %arg10[%mul3A_103] : memref<1048592xf32, #tpu.memory_space<vmem_shared>> -> memref<65536xf32, #tpu.memory_space<vmem_shared>>
        tpu.wait_dma2 semaphore(%run_scoped3A : memref<!tpu.dma_semaphore, #tpu.memory_space<semaphore_mem>>) src(%dma_wait3A_109 : memref<65536xf32, #tpu.memory_space<vmem_shared>>) dst(%dma_wait3A : memref<65536xf32, #tpu.memory_space<hbm>>)
        tpu.yield
      }) : () -> ()
      %scan3A_107 = arith.constant 0 : i32
      scf.yield %scan3A_107 : i32
    }
    %scan3A_8 = arith.constant 8 : i32
    return
  }
}

</mosaic_0001>

<sc_bundles>
// kernel: kernel.3.cloned.1.call-start
scs
__scs_entry_jumppad:
0x0: {  	(pc) =	sbr.rel $0x88, $3  }
0x1: {  	(tag) =	ssettag $0x0;
	lr =	simm.s32 $0x1  }
0x2: {  	[smem:$0x3F9E] =	sst lr;
	_ =	strace $0xD0000000  }
0x3: {  	_ = 	snop  }
0x4: {  	_ = 	snop  }
0x5: {  	_ = 	snop  }
0x6: {  	_ = 	snop  }
0x7: {  	_ = 	snop  }
__scs_overlays_trampoline_lowered:
0x8: {  	[smem:$0x3FAD] =	sst s0  }
0x9: {  	[smem:$0x3FAE] =	sst s1  }
0xa: {  	[smem:$0x3FAF] =	sst s2  }
0xb: {  	[smem:$0x3FB0] =	sst s3  }
0xc: {  	[smem:$0x3FB1] =	sst s4  }
0xd: {  	[smem:$0x3FB2] =	sst s5  }
0xe: {  	[smem:$0x3FB3] =	sst s6  }
0xf: {  	[smem:$0x3FB4] =	sst s7  }
0x10: {  	[smem:$0x3FB5] =	sst s8  }
0x11: {  	[smem:$0x3FB6] =	sst s9;
	s0 =	simm.s32 @!p0 $0x0  }
0x12: {  	s1 =	sld [smem:$0x3F9C];
	s0 =	simm.s32 @p0 $0x1  }
0x13: {  	[smem:$0x3FB7] =	sst s0;
	s0 =	simm.s32 @!p1 $0x0  }
0x14: {  	s2 =	sld [smem:$0x3F9B];
	s0 =	simm.s32 @p1 $0x1  }
0x15: {  	[smem:$0x3FB8] =	sst s0;
	s0 =	simm.s32 @!p2 $0x0  }
0x16: {  	s3 =	sld [smem:$0x3FDB];
	s0 =	simm.s32 @p2 $0x1  }
0x17: {  	s4 =	simm.s32 $0x1BF5;
	[smem:$0x3FBA] =	sst s0  }
0x18: {  	s0 =	sld [smem:$0x3F9D];
	_ =	swait.ge [sflag:s4], $0x0  }
0x19: {  	s7 =	sld [smem:$0x3F9E]  }
0x1a: {  	s8 =	sadd.s32 $0xFFFFE003, lr  }
0x1b: {  	s9 =	sadd.s32 $0xFFFFFEF7, lr;
	s5 =	simm.s32 $0xFFFFFFFF;
	p2 =	slt.u32 s8, $0xFFFFF086  }
0x1c: {  	p1 =	slt.u32 s9, $0xF7A;
	s5 =	simm.s32 @!p2 $0x0  }
0x1d: {  	s5 =	simm.s32 @p1 $0x1;
	p0 =	seq.s32 s7, s2  }
0x1e: {  	s7 =	smul.u32 @!p0 $0xF7A, s2;
	p2 =	seq.s32 @!p0 s5, $0x0  }
0x1f: {  	s9 =	smul.u32 $0xF7A, s1;
	s8 =	simm.s32 @!p0 $0x1BF5;
	p2 =	por !p2, p0  }
0x20: {  	[sflag:s8] =	ssyncset.s32 @!p0 $0xFFFFF086;
	s6 =	sadd.s32 @!p0 s3, s7;
	s7 =	simm.s32 @!p0 $0x108  }
0x21: {  	s3 =	sadd.s32 s3, s9;
	s6 =	sadd.s32 @!p0 $0x88, s6;
	s7 =	simm.s32 @p2 $0x1082  }
0x22: {  	[simem:s7], [sflag:s8] =	dma.local @!p0 [hbm:s6], $0xF7A  }
0x23: {  	s9 =	sor.u32 $0xD0000000, s2;
	s6 =	simm.s32 $0x108;
	_ =	swait.ge @!p0 [sflag:s8], $0x0  }
0x24: {  	s3 =	sadd.s32 $0x88, s3;
	s6 =	simm.s32 @!p1 $0x1082;
	[sflag:s4] =	ssyncset.s32 $0xFFFFF086  }
0x25: {  	[simem:s6], [sflag:s4] =	dma.local [hbm:s3], $0xF7A  }
0x26: {  	[smem:$0x3F9E] =	sst s1;
	(tag) =	ssettag s2;
	_ =	strace s9  }
0x27: {  	s1 =	sld [smem:$0x3FAE]  }
0x28: {  	s2 =	sld [smem:$0x3FAF]  }
0x29: {  	s4 =	sld [smem:$0x3FB1]  }
0x2a: {  	p0 =	seq.s32 s5, $0x0;
	s5 =	sld [smem:$0x3FB2]  }
0x2b: {  	s6 =	sld [smem:$0x3FB3]  }
0x2c: {  	s7 =	sld [smem:$0x3FB4]  }
0x2d: {  	s3 =	simm.s32 $0x108;
	s8 =	sld [smem:$0x3FB5]  }
0x2e: {  	s3 =	simm.s32 @!p0 $0x1082;
	s9 =	sld [smem:$0x3FB6]  }
0x2f: {  	lr =	sadd.s32 s0, s3;
	s0 =	sld [smem:$0x3FAD]  }
0x30: {  	s3 =	sld [smem:$0x3FB0]  }
0x31: {  	[smem:$0x3FB9] =	sst s10  }
0x32: {  	s10 =	sld [smem:$0x3FB7];
	_ =	sdelay $0x3  }
0x33: {  	p0 =	seq.s32 s10, $0x1;
	s10 =	sld [smem:$0x3FB9];
	_ =	sdelay $0x3  }
0x34: {  	[smem:$0x3FB9] =	sst s10  }
0x35: {  	s10 =	sld [smem:$0x3FB8];
	_ =	sdelay $0x3  }
0x36: {  	p1 =	seq.s32 s10, $0x1;
	s10 =	sld [smem:$0x3FB9];
	_ =	sdelay $0x3  }
0x37: {  	[smem:$0x3FB9] =	sst s10  }
0x38: {  	s10 =	sld [smem:$0x3FBA]  }
0x39: {  	_ = 	snop;
	(pc) =	sbr.ind lr, $3  }
0x3a: {  	_ = 	snop  }
0x3b: {  	_ = 	snop  }
0x3c: {  	p2 =	seq.s32 s10, $0x1;
	s10 =	sld [smem:$0x3FB9]  }
0x3d: {  	_ =	shalt  }
0x3e: {  	_ =	shalt  }
0x3f: {  	_ =	shalt  }
0x40: {  	_ =	shalt  }
0x41: {  	_ =	shalt  }
0x42: {  	_ =	shalt  }
0x43: {  	_ =	shalt  }
0x44: {  	_ =	shalt  }
0x45: {  	_ =	shalt  }
0x46: {  	_ =	shalt  }
0x47: {  	_ =	shalt  }
0x48: {  	_ =	shalt  }
0x49: {  	_ =	shalt  }
0x4a: {  	_ =	shalt  }
0x4b: {  	_ =	shalt  }
0x4c: {  	_ =	shalt  }
0x4d: {  	_ =	shalt  }
0x4e: {  	_ =	shalt  }
0x4f: {  	_ =	shalt  }
0x50: {  	_ =	shalt  }
0x51: {  	_ =	shalt  }
0x52: {  	_ =	shalt  }
0x53: {  	_ =	shalt  }
0x54: {  	_ =	shalt  }
0x55: {  	_ =	shalt  }
0x56: {  	_ =	shalt  }
0x57: {  	_ =	shalt  }
0x58: {  	_ =	shalt  }
0x59: {  	_ =	shalt  }
0x5a: {  	_ =	shalt  }
0x5b: {  	_ =	shalt  }
0x5c: {  	_ =	shalt  }
0x5d: {  	_ =	shalt  }
0x5e: {  	_ =	shalt  }
0x5f: {  	_ =	shalt  }
0x60: {  	_ =	shalt  }
0x61: {  	_ =	shalt  }
0x62: {  	_ =	shalt  }
0x63: {  	_ =	shalt  }
0x64: {  	_ =	shalt  }
0x65: {  	_ =	shalt  }
0x66: {  	_ =	shalt  }
0x67: {  	_ =	shalt  }
0x68: {  	_ =	shalt  }
0x69: {  	_ =	shalt  }
0x6a: {  	_ =	shalt  }
0x6b: {  	_ =	shalt  }
0x6c: {  	_ =	shalt  }
0x6d: {  	_ =	shalt  }
0x6e: {  	_ =	shalt  }
0x6f: {  	_ =	shalt  }
0x70: {  	_ =	shalt  }
0x71: {  	_ =	shalt  }
0x72: {  	_ =	shalt  }
0x73: {  	_ =	shalt  }
0x74: {  	_ =	shalt  }
0x75: {  	_ =	shalt  }
0x76: {  	_ =	shalt  }
0x77: {  	_ =	shalt  }
0x78: {  	_ =	shalt  }
0x79: {  	_ =	shalt  }
0x7a: {  	_ =	shalt  }
0x7b: {  	_ =	shalt  }
0x7c: {  	_ =	shalt  }
0x7d: {  	_ =	shalt  }
0x7e: {  	_ =	shalt  }
0x7f: {  	_ =	shalt  }
0x80: {  	_ =	shalt  }
0x81: {  	_ =	shalt  }
0x82: {  	_ =	shalt  }
0x83: {  	_ =	shalt  }
0x84: {  	_ =	shalt  }
0x85: {  	_ =	shalt  }
0x86: {  	_ =	shalt  }
0x87: {  	_ =	shalt  }
.Lfunc_end0:
.L_simem_size_0:
called_computation.1_lowered:
.L_overlay_start_0:
0x88: {  	s2 =	sld [smem:$0x3FD9]  }
0x89: {  	s3 =	sld [smem:$0x3FFE];
	_ =	sdelay $0x1  }
0x8a: {  	s1 =	srdreg.scid  }
0x8b: {  	s0 =	sand.u32 $0x1, s1  }
0x8c: {  	s17 =	sshll.u32 s0, $0xA;
	s2 =	sadd.s32 s3, s2  }
0x8d: {  	s2 =	sadd.s32 s2, s17  }
0x8e: {  	[smem:$0x3FC5] =	sst s2  }
0x8f: {  	_ = 	snop  }
0x90: {  	s2 =	sld [smem:$0x3FD0];
	(tm) =	ssettm $0x1  }
0x91: {  	s18 =	sld [smem:$0x3FFB];
	_ =	sdelay $0x3  }
0x92: {  	_ =	strace s18  }
0x93: {  	s3 =	sld [smem:$0x3FFC];
	_ =	sdelay $0x3  }
0x94: {  	_ =	strace s3  }
0x95: {  	s3 =	sld [smem:$0x3FFD];
	_ =	sdelay $0x3  }
0x96: {  	_ =	strace s3  }
0x97: {  	_ =	strace $0x8FFFFFFF  }
0x98: {  	s19 =	sld [smem:$0x3FDB];
	_ =	sdelay $0x1  }
0x99: {  	s4 =	simm.s32 $_scs_section_size  }
0x9a: {  	s5 =	simm.s32 $_size__tile_overlayer_lowered;
	s6 =	simm.s32 $_tile_overlayer_lowered  }
0x9b: {  	s22 =	simm.s32 $0x1BFF;
	s21 =	sshll.u32 s6, $0x1;
	s3 =	sadd.s32 s4, s19  }
0x9c: {  	s7 =	simm.s32 $0x0;
	s20 =	sshll.u32 s5, $0x1;
	s5 =	sadd.s32 s21, s3  }
0x9d: {  	[timem:s7], [sflag:s22] =	dma.local [hbm:s5], s20  }
0x9e: {  	_ =	swait.ge [sflag:s22], s20  }
0x9f: {  	s4 =	ssub.s32 $0x0, s20;
	[sflag:s22] =	ssyncset.done $0x0  }
0xa0: {  	[sflag:s22] =	ssyncadd.s32 s4;
	_ =	sdelay $0x1  }
0xa1: {  	s23 =	simm.s32 $0x1B8B  }
0xa2: {  	_ =	swait.ge [sflag:s23], $0x1  }
0xa3: {  	[sflag:s23] =	ssyncset.done $0x0  }
0xa4: {  	s25 =	simm.s32 $0x1B8E;
	s24 =	sld [smem:$0x3FFE];
	[sflag:s23] =	ssyncadd.s32 $0xFFFFFFFF  }
0xa5: {  	s26 =	simm.s32 $execute0_lowered;
	[smem:$0x3FD2] =	sst s25  }
0xa6: {  	s5 =	sshll.u32 s26, $0x1;
	_ =	strace $0x80000049;
	[dreg:$0x1] =	wrdreg $0xFFFFFFFF  }
0xa7: {  	s28 =	simm.s32 $_size_execute0_lowered;
	s3 =	sadd.s32 s3, s5;
	[dreg:$0x0] =	wrdreg $0x0  }
0xa8: {  	s5 =	sshll.u32 s28, $0x1;
	[dreg:$0x2] =	wrdreg s3  }
0xa9: {  	[dreg:$0x3] =	wrdreg s5  }
0xaa: {  	[dreg:$0x4] =	wrdreg $0xC0  }
0xab: {  	_ =	task [dreg:s7], $0x5FFFF  }
0xac: {  	[dreg:$0x1] =	wrdreg $0xFFFFFFFF  }
0xad: {  	[dreg:$0x0] =	wrdreg $0x60  }
0xae: {  	[dreg:$0x2] =	wrdreg s2  }
0xaf: {  	[dreg:$0x3] =	wrdreg s24  }
0xb0: {  	[dreg:$0x4] =	wrdreg $0xB5000  }
0xb1: {  	[dreg:$0x5] =	wrdreg $0x9  }
0xb2: {  	_ =	task.clear_ibuf [dreg:s7], $0x6FFFF;
	_ =	strace $0x90000049  }
0xb3: {  	s29 =	simm.s32 $0x9;
	_ =	strace $0x8000004B  }
0xb4: {  	_ =	swait.ge [sflag:s29], $0x1  }
0xb5: {  	[sflag:s29] =	ssyncadd.s32 $0xFFFFFFFF  }
0xb6: {  	_ =	strace $0x9000004B  }
0xb7: {  	_ =	sfence  }
0xb8: {  	s30 =	sld [smem:$0x0];
	_ =	sdelay $0x2  }
0xb9: {  	s31 =	sshll.u32 s1, $0xD;
	s1 =	sshrl.u32 s1, $0x2  }
0xba: {  	s3 =	sand.u32 $0x4000, s31;
	s1 =	sadd.s32 s1, s30  }
0xbb: {  	s0 =	sor.u32 s3, s0;
	s1 =	sshll.u32 s1, $0x11  }
0xbc: {  	s0 =	sor.u32 s1, s0  }
0xbd: {  	s0 =	sadd.s32 $0x8F2B, s0  }
0xbe: {  	[sflag:s0] =	ssyncadd.remote.s32 $0x1  }
0xbf: {  	_ =	sfence.sel $0xFFFF  }
0xc0: {  	[dreg:$0x0] =	wrdreg $0xFFFFFFFF;
	(pc) =	sbr.abs _section_cstart, $3  }
0xc1: {  	[dreg:$0x1] =	wrdreg $0xFFFFFFFF  }
0xc2: {  	_ =	task.clear_ibuf [dreg:s7], $0x2FFFF;
	_ =	strace $0x9FFFFFFF  }
0xc3: {  	(tm) =	ssettm $0x7FFFFFFF  }
tec
execute0_lowered:
.L_overlay_start_1:
0x0: {  	(tag) =	ssettag $0x1  }
0x1: {  	s1 =	rddreg [dreg:$0x0]  }
0x2: {  	s4 =	rddreg [dreg:$0x1]  }
0x3: {  	s2 =	rddreg [dreg:$0x2]  }
0x4: {  	s0 =	rddreg [dreg:$0x3];
	s3 =	simm.s32 $0x0  }
0x5: {  	s5 =	srdreg.scid;
	s14 =	simm.s32 $0x2;
	s15 =	simm.s32 $0x1A00  }
0x6: {  	s16 =	simm.s32 $0x80;
	s17 =	simm.s32 $0x1;
	[smem:$0x7FF] =	sst s3  }
0x7: {  	s9 =	sand.u32 $0x1, s5;
	s5 =	sadd.s32 $0x34800, s4;
	s6 =	sadd.s32 $0x1400, s4  }
.Ltmp0:
0x8: {  	s7 =	sadd.s32 $0x67C00, s4;
	s8 =	ssub.s32 $0x2, s9;
	(pc) =	sbr.rel .LBB2_1-.Ltmp0, $4  }
0x9: {  	s4 =	stileid.u32;
	_ =	strace $0x8000004A;
	s10 =	sshrl.u32 s8, $0x1  }
0xa: {  	v0 =	vmov s4;
	s12 =	sshll.u32 s4, $0x6;
	s11 =	ssub.s32 s8, s10;
	s10 =	sshll.u32 s4, $0x10  }
0xb: {  	s9 =	sshll.u32 s9, $0x17;
	v0 =	vor.u32 $0x100000, v0;
	s12 =	sor.u32 $0x1C02, s12;
	s13 =	sadd.s32 s10, s2  }
0xc: {  	s8 =	smul.u32 $0x19A00, s4;
	v0 =	vbroadcast v0, $0x0;
	s11 =	smax.u32 s11, $0x1;
	s13 =	sshrl.u32 s13, $0x3  }
.LBB2_19:
0xd: {  	s3 =	sadd.s32 $0x1, s3  }
0xe: {  	p0 =	sne.s32 s3, s11  }
.Ltmp1:
0xf: {  	_ = 	snop;
	(pc) =	sbr.rel @!p0 .LBB2_20-.Ltmp1, $1  }
0x10: {  	_ =	sdelay $0x3  }
.LBB2_1:
.Ltmp2:
0x11: {  	(pc) =	sbr.rel .LBB2_2-.Ltmp2, $2  }
0x12: {  	_ =	sdelay $0x2  }
0x13: {  	s18 =	simm.s32 $0x0  }
.LBB2_17:
0x14: {  	[sflag:s17] =	ssyncadd.s32 $0xFFFFFF80  }
.LBB2_18:
0x15: {  	s18 =	sadd.s32 $0x1, s18  }
0x16: {  	p0 =	sne.s32 s18, $0x8  }
.Ltmp3:
0x17: {  	[bflag:$0x0] =	sbarrier.arrive $0xFFFF;
	s19 =	sadd.s32 s7, s19;
	(pc) =	sbr.rel @!p0 .LBB2_19-.Ltmp3, $4  }
0x18: {  	[hbm:s19], [sflag:s12] =	dma.local [spmem:s13], $0x2000  }
0x19: {  	_ =	swait.ge [sflag:s14], $0x2000  }
0x1a: {  	[sflag:s14] =	ssyncset.done $0x0  }
0x1b: {  	[sflag:s14] =	ssyncadd.s32 $0xFFFFE000  }
.LBB2_2:
0x1c: {  	s19 =	sshll.u32 s18, $0x14  }
0x1d: {  	s20 =	sadd.s32 s9, s19  }
0x1e: {  	s19 =	sor.u32 s10, s20  }
0x1f: {  	s19 =	sshrl.u32 s19, $0x3  }
0x20: {  	s21 =	sadd.s32 s1, s19  }
0x21: {  	[spmem:s13], [sflag:s12] =	dma.local [hbm:s21], $0x2000  }
.Ltmp4:
0x22: {  	_ =	swait.ge [sflag:s14], $0x2000;
	(pc) =	sbr.rel .LBB2_3-.Ltmp4, $4  }
0x23: {  	[sflag:s14] =	ssyncset.done $0x0  }
0x24: {  	[sflag:s14] =	ssyncadd.s32 $0xFFFFE000  }
0x25: {  	[bflag:$0x0] =	sbarrier.arrive $0xFFFF  }
0x26: {  	s22 =	simm.s32 $0x0;
	v1 =	vmov s20;
	s20 =	simm.s32 $0x0;
	s21 =	simm.s32 $0x0  }
.LBB2_10:
0x27: {  	[sflag:s17] =	ssyncadd.s32 $0xFFFFFF80  }
.LBB2_11:
0x28: {  	s21 =	sadd.s32 $0x1, s21  }
0x29: {  	p1 =	sne.s32 s21, $0x10  }
.Ltmp5:
0x2a: {  	_ = 	snop;
	(pc) =	sbr.rel @!p1 .LBB2_12-.Ltmp5, $3  }
0x2b: {  	_ =	sdelay $0x1  }
0x2c: {  	p0 =	sgt.s32 s22, $0x265F  }
0x2d: {  	s22 =	simm.s32 @p0 $0x0  }
.LBB2_3:
0x2e: {  	s23 =	smul.u32 $0x19A0, s21;
	_ =	sdelay $0x1  }
0x2f: {  	s23 =	sadd.s32 s8, s23  }
0x30: {  	s23 =	sshrl.u32 s23, $0x3  }
0x31: {  	s24 =	sadd.s32 s5, s23  }
0x32: {  	[tilespmem:s20], [sflag:$0x2] =	stream.linear.gather [hbm4b:s24+s20], $0x19A0, $0x38;
	[tilespmem:$0x1B508] =	vst v63  }
0x33: {  	_ =	swait.ge [sflag:s14], $0x19A0  }
0x34: {  	[sflag:s14] =	ssyncset.done $0x0  }
0x35: {  	s23 =	sadd.s32 s6, s23;
	[sflag:s14] =	ssyncadd.s32 $0xFFFFE660  }
0x36: {  	[tilespmem:s15], [sflag:$0x2] =	stream.linear.gather [hbm4b:s23+s20], $0x19A0, $0x38;
	[tilespmem:$0x1B508] =	vst v63  }
0x37: {  	_ =	swait.ge [sflag:s14], $0x19A0  }
0x38: {  	[sflag:s14] =	ssyncset.done $0x0  }
0x39: {  	s25 =	simm.s32 $0x0;
	[sflag:s14] =	ssyncadd.s32 $0xFFFFE660  }
0x3a: {  	v2 =	vld [tilespmem:s25+$0x0];
	_ =	sdelay $0x4  }
0x3b: {  	v2 =	vsub.s32 v2, v1  }
0x3c: {  	vm0 =	vlt.u32 v2, $0x100000  }
0x3d: {  	v3 =	vmpcnt.ones.xlane vm0;
	_ =	sdelay $0x1  }
0x3e: {  	v4 =	vld [tilespmem:s25+$0x1A00];
	(v2sf) =	vpush v3, $0x0;
	_ =	sdelay $0x3  }
0x3f: {  	[tilespmem:s22+$0x3400] =	vst.msk vm0, v2  }
0x40: {  	[tilespmem:s22+$0x7480] =	vst.msk vm0, v4  }
0x41: {  	v2 =	vld [tilespmem:s25+$0x10];
	_ =	sdelay $0x4  }
0x42: {  	v2 =	vsub.s32 v2, v1  }
0x43: {  	vm0 =	vlt.u32 v2, $0x100000  }
0x44: {  	v4 =	vld [tilespmem:s25+$0x1A10];
	v3 =	vmpcnt.ones.xlane vm0;
	_ =	sdelay $0x1  }
0x45: {  	(v2sf) =	vpush v3, $0x0;
	s26 =	spop (v2sf)  }
0x46: {  	s28 =	sadd.s32 s22, s26  }
0x47: {  	[tilespmem:s28+$0x3400] =	vst.msk vm0, v2  }
0x48: {  	[tilespmem:s28+$0x7480] =	vst.msk vm0, v4  }
0x49: {  	v2 =	vld [tilespmem:s25+$0x20];
	_ =	sdelay $0x4  }
0x4a: {  	v2 =	vsub.s32 v2, v1  }
0x4b: {  	vm0 =	vlt.u32 v2, $0x100000  }
0x4c: {  	v3 =	vmpcnt.ones.xlane vm0;
	_ =	sdelay $0x1  }
0x4d: {  	v4 =	vld [tilespmem:s25+$0x1A20];
	(v2sf) =	vpush v3, $0x0;
	_ =	sdelay $0x1  }
0x4e: {  	s29 =	spop (v2sf)  }
0x4f: {  	s22 =	sadd.s32 s28, s29  }
0x50: {  	[tilespmem:s22+$0x3400] =	vst.msk vm0, v2  }
0x51: {  	[tilespmem:s22+$0x7480] =	vst.msk vm0, v4  }
0x52: {  	v2 =	vld [tilespmem:s25+$0x30];
	_ =	sdelay $0x4  }
0x53: {  	v2 =	vsub.s32 v2, v1  }
0x54: {  	vm0 =	vlt.u32 v2, $0x100000  }
0x55: {  	v3 =	vld [tilespmem:s25+$0x1A30];
	v4 =	vmpcnt.ones.xlane vm0;
	_ =	sdelay $0x1  }
0x56: {  	(v2sf) =	vpush v4, $0x0;
	s30 =	spop (v2sf)  }
0x57: {  	s22 =	sadd.s32 s22, s30  }
0x58: {  	[tilespmem:s22+$0x3400] =	vst.msk vm0, v2  }
0x59: {  	[tilespmem:s22+$0x7480] =	vst.msk vm0, v3  }
0x5a: {  	v2 =	vld [tilespmem:s25+$0x40];
	_ =	sdelay $0x4  }
0x5b: {  	v2 =	vsub.s32 v2, v1  }
0x5c: {  	vm0 =	vlt.u32 v2, $0x100000  }
0x5d: {  	v3 =	vmpcnt.ones.xlane vm0;
	_ =	sdelay $0x1  }
0x5e: {  	v4 =	vld [tilespmem:s25+$0x1A40];
	(v2sf) =	vpush v3, $0x0;
	_ =	sdelay $0x1  }
0x5f: {  	s31 =	spop (v2sf)  }
0x60: {  	s25 =	sadd.s32 s22, s31  }
0x61: {  	[tilespmem:s25+$0x3400] =	vst.msk vm0, v2  }
0x62: {  	s22 =	simm.s32 $0x50;
	[tilespmem:s25+$0x7480] =	vst.msk vm0, v4  }
0x63: {  	v2 =	vld [tilespmem:s22+$0x0];
	_ =	sdelay $0x4  }
0x64: {  	v2 =	vsub.s32 v2, v1  }
0x65: {  	vm0 =	vlt.u32 v2, $0x100000  }
0x66: {  	v4 =	vmpcnt.ones.xlane vm0  }
0x67: {  	v3 =	vld [tilespmem:s22+$0x1A00]  }
0x68: {  	s23 =	simm.s32 $0x280;
	(v2sf) =	vpush v4, $0x0;
	s24 =	spop (v2sf)  }
.LBB2_4:
0x69: {  	p0 =	sne.s32 s23, $0x6540  }
0x6a: {  	s25 =	sadd.s32 s25, s24;
	s24 =	smov.u32 s23;
	s23 =	sadd.s32 $0x140, s23  }
0x6b: {  	[tilespmem:s25+$0x3400] =	vst.msk vm0, v2  }
0x6c: {  	[tilespmem:s25+$0x7480] =	vst.msk vm0, v3  }
0x6d: {  	v2 =	vld [tilespmem:s22+$0x10];
	_ =	sdelay $0x4  }
0x6e: {  	v2 =	vsub.s32 v2, v1  }
0x6f: {  	vm0 =	vlt.u32 v2, $0x100000  }
0x70: {  	v3 =	vmpcnt.ones.xlane vm0  }
0x71: {  	v4 =	vld [tilespmem:s22+$0x1A10]  }
0x72: {  	(v2sf) =	vpush v3, $0x0  }
0x73: {  	s26 =	spop (v2sf)  }
0x74: {  	s25 =	sadd.s32 s25, s26  }
0x75: {  	[tilespmem:s25+$0x3400] =	vst.msk vm0, v2  }
0x76: {  	[tilespmem:s25+$0x7480] =	vst.msk vm0, v4  }
0x77: {  	v2 =	vld [tilespmem:s22+$0x20];
	_ =	sdelay $0x4  }
0x78: {  	v2 =	vsub.s32 v2, v1  }
0x79: {  	vm0 =	vlt.u32 v2, $0x100000  }
0x7a: {  	v3 =	vmpcnt.ones.xlane vm0  }
0x7b: {  	v4 =	vld [tilespmem:s22+$0x1A20]  }
0x7c: {  	(v2sf) =	vpush v3, $0x0  }
0x7d: {  	s26 =	spop (v2sf)  }
0x7e: {  	s25 =	sadd.s32 s25, s26  }
0x7f: {  	[tilespmem:s25+$0x3400] =	vst.msk vm0, v2  }
0x80: {  	[tilespmem:s25+$0x7480] =	vst.msk vm0, v4  }
0x81: {  	v2 =	vld [tilespmem:s22+$0x30]  }
0x82: {  	v3 =	vld [tilespmem:s22+$0x1A30];
	_ =	sdelay $0x3  }
0x83: {  	v2 =	vsub.s32 v2, v1  }
0x84: {  	vm0 =	vlt.u32 v2, $0x100000  }
0x85: {  	v4 =	vmpcnt.ones.xlane vm0;
	_ =	sdelay $0x1  }
0x86: {  	(v2sf) =	vpush v4, $0x0  }
0x87: {  	s26 =	spop (v2sf)  }
0x88: {  	s25 =	sadd.s32 s25, s26  }
0x89: {  	[tilespmem:s25+$0x3400] =	vst.msk vm0, v2  }
0x8a: {  	[tilespmem:s25+$0x7480] =	vst.msk vm0, v3  }
0x8b: {  	v2 =	vld [tilespmem:s22+$0x40]  }
0x8c: {  	v3 =	vld [tilespmem:s22+$0x1A40];
	_ =	sdelay $0x3  }
0x8d: {  	v2 =	vsub.s32 v2, v1  }
0x8e: {  	vm0 =	vlt.u32 v2, $0x100000  }
0x8f: {  	v4 =	vmpcnt.ones.xlane vm0;
	_ =	sdelay $0x1  }
0x90: {  	(v2sf) =	vpush v4, $0x0  }
0x91: {  	s22 =	spop (v2sf)  }
0x92: {  	s25 =	sadd.s32 s25, s22  }
0x93: {  	[tilespmem:s25+$0x3400] =	vst.msk vm0, v2  }
0x94: {  	s22 =	sshra.s32 s24, $0x2;
	[tilespmem:s25+$0x7480] =	vst.msk vm0, v3  }
0x95: {  	v2 =	vld [tilespmem:s22+$0x0];
	_ =	sdelay $0x4  }
0x96: {  	v2 =	vsub.s32 v2, v1  }
.Ltmp6:
0x97: {  	vm0 =	vlt.u32 v2, $0x100000;
	(pc) =	sbr.rel @p0 .LBB2_4-.Ltmp6, $4  }
0x98: {  	v4 =	vmpcnt.ones.xlane vm0  }
0x99: {  	v3 =	vld [tilespmem:s22+$0x1A00]  }
0x9a: {  	(v2sf) =	vpush v4, $0x0  }
0x9b: {  	s24 =	spop (v2sf)  }
0x9c: {  	_ =	sdelay $0x4  }
0x9d: {  	s23 =	sadd.s32 s25, s24  }
0x9e: {  	[tilespmem:s23+$0x3400] =	vst.msk vm0, v2  }
0x9f: {  	[tilespmem:s23+$0x7480] =	vst.msk vm0, v3  }
0xa0: {  	v2 =	vld [tilespmem:s22+$0x10];
	_ =	sdelay $0x2  }
0xa1: {  	v3 =	vld [tilespmem:s22+$0x1A10];
	_ =	sdelay $0x1  }
0xa2: {  	v2 =	vsub.s32 v2, v1;
	s26 =	spop (v2sf)  }
0xa3: {  	vm12 =	vlt.u32 v2, $0x100000;
	s23 =	sadd.s32 s23, s26  }
0xa4: {  	v4 =	vmpcnt.ones.xlane vm12;
	[tilespmem:s23+$0x3400] =	vst.msk vm12, v2  }
0xa5: {  	[tilespmem:s23+$0x7480] =	vst.msk vm12, v3  }
0xa6: {  	(v2sf) =	vpush v4, $0x0;
	v2 =	vld [tilespmem:s22+$0x20];
	_ =	sdelay $0x4  }
0xa7: {  	v2 =	vsub.s32 v2, v1  }
0xa8: {  	vm13 =	vlt.u32 v2, $0x100000  }
0xa9: {  	v3 =	vmpcnt.ones.xlane vm13;
	_ =	sdelay $0x1  }
0xaa: {  	(v2sf) =	vpush v3, $0x0;
	_ =	sdelay $0x3  }
0xab: {  	v3 =	vld [tilespmem:s22+$0x1A20];
	_ =	sdelay $0x1  }
0xac: {  	s28 =	spop (v2sf)  }
0xad: {  	s23 =	sadd.s32 s23, s28  }
0xae: {  	[tilespmem:s23+$0x3400] =	vst.msk vm13, v2  }
0xaf: {  	[tilespmem:s23+$0x7480] =	vst.msk vm13, v3  }
0xb0: {  	v2 =	vld [tilespmem:s22+$0x30];
	_ =	sdelay $0x2  }
0xb1: {  	v3 =	vld [tilespmem:s22+$0x1A30];
	_ =	sdelay $0x1  }
0xb2: {  	v2 =	vsub.s32 v2, v1;
	s29 =	spop (v2sf)  }
0xb3: {  	vm14 =	vlt.u32 v2, $0x100000;
	s23 =	sadd.s32 s23, s29  }
0xb4: {  	[tilespmem:s23+$0x3400] =	vst.msk vm14, v2  }
0xb5: {  	[tilespmem:s23+$0x7480] =	vst.msk vm14, v3  }
0xb6: {  	v2 =	vld [tilespmem:s22+$0x40];
	_ =	sdelay $0x4  }
0xb7: {  	v2 =	vsub.s32 v2, v1  }
0xb8: {  	v3 =	vmpcnt.ones.xlane vm14;
	vm15 =	vlt.u32 v2, $0x100000  }
0xb9: {  	v63 =	vmpcnt.ones.xlane vm15  }
0xba: {  	(v2sf) =	vpush v3, $0x0  }
0xbb: {  	(v2sf) =	vpush v63, $0x0;
	_ =	sdelay $0xd  }
0xbc: {  	s30 =	spop (v2sf)  }
0xbd: {  	s23 =	sadd.s32 s23, s30;
	s31 =	spop (v2sf)  }
0xbe: {  	v3 =	vld [tilespmem:s22+$0x1A40];
	s22 =	sadd.s32 s23, s31  }
0xbf: {  	p0 =	slt.s32 s22, $0x2660  }
0xc0: {  	s24 =	sadd.s32 @!p0 $0x7F, s22  }
0xc1: {  	s25 =	sand.u32 @!p0 $0x7F, s24  }
0xc2: {  	[tilespmem:s23+$0x3400] =	vst.msk vm15, v2;
	p1 =	slt.s32 @!p0 s24, $0x0;
	p2 =	sne.s32 @!p0 s25, $0x0  }
0xc3: {  	[tilespmem:s23+$0x7480] =	vst.msk vm15, v3;
	s23 =	sshra.s32 @!p0 s24, $0x1F;
	p1 =	por @!p0 !p1, !p2  }
0xc4: {  	s23 =	sshrl.u32 @!p0 s23, $0x19;
	p1 =	por @!p0 !p1, !p1  }
0xc5: {  	s23 =	sadd.s32 @!p0 s23, s24;
	s24 =	simm.s32 @!p0 $0x1;
	p1 =	por !p1, p0  }
0xc6: {  	s23 =	sshra.s32 @!p0 s23, $0x7;
	s24 =	simm.s32 @p1 $0x0  }
0xc7: {  	[tilespmem:s22+$0x3400] =	vst @!p0 v0;
	s23 =	ssub.s32 @!p0 s23, s24  }
0xc8: {  	[tilespmem:s22+$0x3410] =	vst @!p0 v0;
	p1 =	slt.s32 @!p0 s23, $0x1  }
0xc9: {  	[tilespmem:s22+$0x3420] =	vst @!p0 v0;
	p1 =	por p0, p1  }
.Ltmp7:
0xca: {  	[tilespmem:s22+$0x3430] =	vst @!p0 v0;
	(pc) =	sbr.rel @p1 .LBB2_11-.Ltmp7, $4  }
0xcb: {  	[tilespmem:s22+$0x3440] =	vst @!p0 v0  }
0xcc: {  	[tilespmem:s22+$0x3450] =	vst @!p0 v0  }
0xcd: {  	[tilespmem:s22+$0x3460] =	vst @!p0 v0  }
0xce: {  	[tilespmem:s22+$0x3470] =	vst @!p0 v0  }
0xcf: {  	s24 =	simm.s32 @!p0 $0x7480;
	p1 =	sne.s32 s23, $0x1  }
.Ltmp8:
0xd0: {  	s25 =	simm.s32 @!p0 $0x3400;
	p0 =	por $0x1, $0x1;
	(pc) =	sbr.rel @!p1 .LBB2_8-.Ltmp8, $4  }
0xd1: {  	[spmem:s2] =	stream.indirect.scatter [tilespmem:s24], [sflag:$0x1], $0x1, s25, s16, $0xb8;
	[tilespmem:$0x1B508] =	vst v63  }
0xd2: {  	s28 =	simm.s32 @!p0 $0x1  }
0xd3: {  	_ =	swait.ge @!p0 [sflag:s28], $0x80  }
0xd4: {  	s26 =	simm.s32 $0x3480;
	s25 =	simm.s32 $0x1;
	[sflag:s28] =	ssyncset.done @!p0 $0x0  }
.LBB2_7:
0xd5: {  	[sflag:s28] =	ssyncadd.s32 @!p0 $0xFFFFFF80  }
0xd6: {  	s24 =	sadd.s32 $0x80, s24;
	s28 =	smov.u32 s25;
	s25 =	sadd.s32 $0x1, s25  }
0xd7: {  	p1 =	sne.s32 s23, s25  }
0xd8: {  	[spmem:s2] =	stream.indirect.scatter [tilespmem:s24], [sflag:$0x1], $0x1, s26, s16, $0xb8;
	[tilespmem:$0x1B508] =	vst v63  }
.Ltmp9:
0xd9: {  	_ = 	snop;
	(pc) =	sbr.rel @p1 .LBB2_7-.Ltmp9, $4  }
0xda: {  	p0 =	slt.u32 s28, $0x8  }
0xdb: {  	s28 =	simm.s32 @!p0 $0x1  }
0xdc: {  	_ =	swait.ge @!p0 [sflag:s28], $0x80  }
0xdd: {  	s26 =	sadd.s32 $0x80, s26;
	[sflag:s28] =	ssyncset.done @!p0 $0x0  }
.LBB2_8:
0xde: {  	s23 =	smin.u32 s23, $0x8  }
0xdf: {  	[sflag:s28] =	ssyncadd.s32 @!p0 $0xFFFFFF80;
	p0 =	sne.s32 s23, $0x1  }
.Ltmp10:
0xe0: {  	_ = 	snop;
	(pc) =	sbr.rel @!p0 .LBB2_10-.Ltmp10, $3  }
0xe1: {  	_ =	sdelay $0x1  }
0xe2: {  	_ =	swait.ge [sflag:s17], $0x80  }
0xe3: {  	s23 =	sadd.s32 $0xFFFFFFFF, s23;
	[sflag:s17] =	ssyncset.done $0x0  }
.LBB2_9:
0xe4: {  	p0 =	sne.s32 s23, $0x1;
	s23 =	sadd.s32 $0xFFFFFFFF, s23;
	[sflag:s17] =	ssyncadd.s32 $0xFFFFFF80  }
.Ltmp11:
0xe5: {  	(pc) =	sbr.rel @p0 .LBB2_9-.Ltmp11, $3  }
0xe6: {  	_ =	sdelay $0x1  }
0xe7: {  	_ =	swait.ge [sflag:s17], $0x80  }
0xe8: {  	[sflag:s17] =	ssyncset.done $0x0  }
.Ltmp12:
0xe9: {  	_ = 	snop;
	(pc) =	sbr.rel .LBB2_10-.Ltmp12, $1  }
0xea: {  	_ =	sdelay $0x3  }
.LBB2_12:
0xeb: {  	s20 =	sadd.s32 $0x7F, s22  }
0xec: {  	s21 =	sand.u32 $0x7F, s20  }
0xed: {  	s31 =	sshra.s32 s20, $0x1F;
	p1 =	slt.s32 s20, $0x1;
	p0 =	sne.s32 s21, $0x0  }
0xee: {  	s21 =	sshrl.u32 s31, $0x19;
	p0 =	por !p1, !p0  }
0xef: {  	s20 =	sadd.s32 s21, s20;
	s21 =	simm.s32 $0x1;
	p0 =	por !p0, !p0  }
0xf0: {  	[tilespmem:s22+$0x3400] =	vst v0;
	s20 =	sshra.s32 s20, $0x7;
	s21 =	simm.s32 @!p0 $0x0  }
0xf1: {  	[tilespmem:s22+$0x3410] =	vst v0;
	s20 =	ssub.s32 s20, s21  }
0xf2: {  	[tilespmem:s22+$0x3420] =	vst v0;
	p0 =	slt.s32 s20, $0x1  }
.Ltmp13:
0xf3: {  	[tilespmem:s22+$0x3430] =	vst v0;
	(pc) =	sbr.rel @p0 .LBB2_18-.Ltmp13, $4  }
0xf4: {  	[tilespmem:s22+$0x3440] =	vst v0  }
0xf5: {  	[tilespmem:s22+$0x3450] =	vst v0  }
0xf6: {  	[tilespmem:s22+$0x3460] =	vst v0  }
0xf7: {  	[tilespmem:s22+$0x3470] =	vst v0  }
0xf8: {  	s21 =	simm.s32 $0x7480;
	p1 =	sne.s32 s20, $0x1  }
.Ltmp14:
0xf9: {  	s22 =	simm.s32 $0x3400;
	p0 =	por $0x1, $0x1;
	(pc) =	sbr.rel @!p1 .LBB2_15-.Ltmp14, $4  }
0xfa: {  	[spmem:s2] =	stream.indirect.scatter [tilespmem:s21], [sflag:$0x1], $0x1, s22, s16, $0xb8;
	[tilespmem:$0x1B508] =	vst v63  }
0xfb: {  	s24 =	simm.s32 @!p0 $0x1  }
0xfc: {  	_ =	swait.ge @!p0 [sflag:s24], $0x80  }
0xfd: {  	s23 =	simm.s32 $0x3480;
	s22 =	simm.s32 $0x1;
	[sflag:s24] =	ssyncset.done @!p0 $0x0  }
.LBB2_14:
0xfe: {  	[sflag:s24] =	ssyncadd.s32 @!p0 $0xFFFFFF80  }
0xff: {  	s21 =	sadd.s32 $0x80, s21;
	s24 =	smov.u32 s22;
	s22 =	sadd.s32 $0x1, s22  }
0x100: {  	p1 =	sne.s32 s20, s22  }
0x101: {  	[spmem:s2] =	stream.indirect.scatter [tilespmem:s21], [sflag:$0x1], $0x1, s23, s16, $0xb8;
	[tilespmem:$0x1B508] =	vst v63  }
.Ltmp15:
0x102: {  	_ = 	snop;
	(pc) =	sbr.rel @p1 .LBB2_14-.Ltmp15, $4  }
0x103: {  	p0 =	slt.u32 s24, $0x8  }
0x104: {  	s24 =	simm.s32 @!p0 $0x1  }
0x105: {  	_ =	swait.ge @!p0 [sflag:s24], $0x80  }
0x106: {  	s23 =	sadd.s32 $0x80, s23;
	[sflag:s24] =	ssyncset.done @!p0 $0x0  }
.LBB2_15:
0x107: {  	s20 =	smin.u32 s20, $0x8  }
0x108: {  	[sflag:s24] =	ssyncadd.s32 @!p0 $0xFFFFFF80;
	p0 =	sne.s32 s20, $0x1  }
.Ltmp16:
0x109: {  	_ = 	snop;
	(pc) =	sbr.rel @!p0 .LBB2_17-.Ltmp16, $3  }
0x10a: {  	_ =	sdelay $0x1  }
0x10b: {  	_ =	swait.ge [sflag:s17], $0x80  }
0x10c: {  	s20 =	sadd.s32 $0xFFFFFFFF, s20;
	[sflag:s17] =	ssyncset.done $0x0  }
.LBB2_16:
0x10d: {  	p0 =	sne.s32 s20, $0x1;
	s20 =	sadd.s32 $0xFFFFFFFF, s20;
	[sflag:s17] =	ssyncadd.s32 $0xFFFFFF80  }
.Ltmp17:
0x10e: {  	(pc) =	sbr.rel @p0 .LBB2_16-.Ltmp17, $3  }
0x10f: {  	_ =	sdelay $0x1  }
0x110: {  	_ =	swait.ge [sflag:s17], $0x80  }
0x111: {  	[sflag:s17] =	ssyncset.done $0x0  }
.Ltmp18:
0x112: {  	_ = 	snop;
	(pc) =	sbr.rel .LBB2_17-.Ltmp18, $1  }
0x113: {  	_ =	sdelay $0x3  }
.LBB2_20:
0x114: {  	_ =	sfence.sel $0x180000  }
0x115: {  	[bflag:$0x0] =	sbarrier.arrive $0xFFFF  }
0x116: {  	p0 =	sne.s32 s4, $0x0;
	_ =	strace $0x9000004A  }
0x117: {  	s0 =	sadd.s32 @!p0 $0x100000, s0;
	[bflag:$0x2] =	sbarrier.arrive $0xFFFF  }
0x118: {  	[sflag:s0] =	ssyncadd.tile.s32 @!p0 $0x1;
	_ =	shalt  }
.Lfunc_end2:
_tile_overlayer_lowered:
.L_overlay_start_2:
0x119: {  	(tag) =	ssettag $0x2  }
0x11a: {  	s0 =	rddreg [dreg:$0x0];
	s2 =	stileid.u32  }
0x11b: {  	s1 =	rddreg [dreg:$0x1];
	p0 =	sne.s32 s2, $0x0  }
0x11c: {  	s3 =	rddreg [dreg:$0x2];
	[bflag:$0x3] =	sbarrier.arrive $0xFFFF;
	s2 =	simm.s32 @!p0 $0x1C02  }
0x11d: {  	[timem:s3], [sflag:s2] =	dma.local @!p0 [hbm:s0], s1  }
0x11e: {  	s0 =	simm.s32 @!p0 $0x2  }
0x11f: {  	_ =	swait.ge @!p0 [sflag:s0], s1  }
0x120: {  	s1 =	ssub.s32 @!p0 $0x0, s1;
	[sflag:s0] =	ssyncset.done @!p0 $0x0  }
0x121: {  	[sflag:s0] =	ssyncadd.s32 @!p0 s1  }
0x122: {  	[bflag:$0x3] =	sbarrier.arrive $0xFFFF  }
0x123: {  	_ =	shalt  }

// kernel: sparse-core-data-format-call.cloned.1.call-start
scs
called_computation_lowered:
.L_overlay_start_0:
0x0: {  	s2 =	sld [smem:$0x3FD9]  }
0x1: {  	s3 =	sld [smem:$0x3FFE];
	_ =	sdelay $0x1  }
0x2: {  	s1 =	srdreg.scid  }
0x3: {  	s0 =	sand.u32 $0x1, s1  }
0x4: {  	s19 =	sshll.u32 s0, $0xA;
	s2 =	sadd.s32 s3, s2  }
0x5: {  	s2 =	sadd.s32 s2, s19  }
0x6: {  	[smem:$0x3FC5] =	sst s2  }
0x7: {  	_ = 	snop  }
0x8: {  	s2 =	sld [smem:$0x3FC9]  }
0x9: {  	s20 =	sld [smem:$0x3FD0];
	(tm) =	ssettm $0x1  }
0xa: {  	s4 =	sld [smem:$0x3FFB];
	_ =	sdelay $0x3  }
0xb: {  	_ =	strace s4  }
0xc: {  	s4 =	sld [smem:$0x3FFC];
	_ =	sdelay $0x3  }
0xd: {  	_ =	strace s4  }
0xe: {  	s4 =	sld [smem:$0x3FFD];
	_ =	sdelay $0x3  }
0xf: {  	_ =	strace s4  }
0x10: {  	_ =	strace $0x8FFFFFFF  }
0x11: {  	s21 =	sld [smem:$0x3FDB];
	_ =	sdelay $0x1  }
0x12: {  	s5 =	simm.s32 $_scs_section_size  }
0x13: {  	s6 =	simm.s32 $_size__tile_overlayer_lowered;
	s7 =	simm.s32 $_tile_overlayer_lowered  }
0x14: {  	s24 =	simm.s32 $0x1BFF;
	s23 =	sshll.u32 s7, $0x1;
	s4 =	sadd.s32 s5, s21  }
0x15: {  	s8 =	simm.s32 $0x0;
	s22 =	sshll.u32 s6, $0x1;
	s6 =	sadd.s32 s23, s4  }
0x16: {  	[timem:s8], [sflag:s24] =	dma.local [hbm:s6], s22  }
0x17: {  	_ =	swait.ge [sflag:s24], s22  }
0x18: {  	s5 =	ssub.s32 $0x0, s22;
	[sflag:s24] =	ssyncset.done $0x0  }
0x19: {  	[sflag:s24] =	ssyncadd.s32 s5;
	_ =	sdelay $0x1  }
0x1a: {  	s25 =	simm.s32 $0x1B8B  }
0x1b: {  	_ =	swait.ge [sflag:s25], $0x1  }
0x1c: {  	[sflag:s25] =	ssyncset.done $0x0  }
0x1d: {  	s26 =	simm.s32 $0x1B8E;
	[sflag:s25] =	ssyncadd.s32 $0xFFFFFFFF  }
0x1e: {  	s27 =	simm.s32 $execute0_lowered;
	[smem:$0x3FD2] =	sst s26  }
0x1f: {  	s5 =	sshll.u32 s27, $0x1;
	_ =	strace $0x80000046;
	[dreg:$0x1] =	wrdreg $0xFFFFFFFF  }
0x20: {  	s28 =	simm.s32 $_size_execute0_lowered;
	s4 =	sadd.s32 s4, s5;
	[dreg:$0x0] =	wrdreg $0x0  }
0x21: {  	s5 =	sshll.u32 s28, $0x1;
	[dreg:$0x2] =	wrdreg s4  }
0x22: {  	[dreg:$0x3] =	wrdreg s5  }
0x23: {  	[dreg:$0x4] =	wrdreg $0xC0  }
0x24: {  	_ =	task [dreg:s8], $0x5FFFF  }
0x25: {  	[dreg:$0x1] =	wrdreg $0xFFFFFFFF  }
0x26: {  	[dreg:$0x0] =	wrdreg $0x60  }
0x27: {  	[dreg:$0x2] =	wrdreg s2  }
0x28: {  	[dreg:$0x3] =	wrdreg s20  }
0x29: {  	[dreg:$0x4] =	wrdreg $0x9  }
0x2a: {  	_ =	task.clear_ibuf [dreg:s8], $0x5FFFF;
	_ =	strace $0x90000046  }
0x2b: {  	s29 =	simm.s32 $0x9;
	_ =	strace $0x80000048  }
0x2c: {  	_ =	swait.ge [sflag:s29], $0x1  }
0x2d: {  	[sflag:s29] =	ssyncadd.s32 $0xFFFFFFFF  }
0x2e: {  	_ =	strace $0x90000048  }
0x2f: {  	_ =	sfence  }
0x30: {  	s30 =	sld [smem:$0x0];
	_ =	sdelay $0x2  }
0x31: {  	s31 =	sshll.u32 s1, $0xD;
	s1 =	sshrl.u32 s1, $0x2  }
0x32: {  	s3 =	sand.u32 $0x4000, s31;
	s1 =	sadd.s32 s1, s30  }
0x33: {  	s0 =	sor.u32 s3, s0;
	s1 =	sshll.u32 s1, $0x11  }
0x34: {  	s0 =	sor.u32 s1, s0  }
0x35: {  	s0 =	sadd.s32 $0x8F2B, s0  }
0x36: {  	[sflag:s0] =	ssyncadd.remote.s32 $0x1  }
0x37: {  	_ =	sfence.sel $0xFFFF  }
0x38: {  	[dreg:$0x0] =	wrdreg $0xFFFFFFFF;
	(pc) =	sbr.abs _section_cstart, $3  }
0x39: {  	[dreg:$0x1] =	wrdreg $0xFFFFFFFF  }
0x3a: {  	_ =	task.clear_ibuf [dreg:s8], $0x2FFFF;
	_ =	strace $0x9FFFFFFF  }
0x3b: {  	(tm) =	ssettm $0x7FFFFFFF  }
tec
execute0_lowered:
.L_overlay_start_1:
0x0: {  	(tag) =	ssettag $0x1  }
0x1: {  	s2 =	rddreg [dreg:$0x0]  }
0x2: {  	s3 =	rddreg [dreg:$0x1]  }
0x3: {  	s0 =	rddreg [dreg:$0x2];
	_ =	strace $0x80000047  }
0x4: {  	s4 =	srdreg.scid;
	s1 =	stileid.u32;
	s6 =	simm.s32 $0x2  }
.Ltmp0:
0x5: {  	s11 =	simm.s32 $0x0;
	p0 =	por $0x0, $0x0;
	(pc) =	sbr.rel .LBB1_1-.Ltmp0, $4  }
0x6: {  	s7 =	simm.s32 $0x1000;
	s12 =	simm.s32 $0x0;
	s5 =	sshll.u32 s4, $0x4  }
0x7: {  	s9 =	simm.s32 $0x0;
	s4 =	simm.s32 $0x1;
	s5 =	sand.u32 $0x10, s5  }
0x8: {  	s8 =	simm.s32 $0x0;
	[sflag:s4] =	ssyncpa.u1 $0x0;
	s5 =	sor.u32 s1, s5  }
0x9: {  	[sflag:s6] =	ssyncpa.u1 $0x0;
	s6 =	simm.s32 $0x800;
	s10 =	smov.u32 s5  }
.LBB1_7:
0xa: {  	s13 =	sadd.s32 $0x10, s9  }
0xb: {  	s11 =	sadd.s32 $0x20, s10;
	s15 =	smov.u32 s10;
	p2 =	sgt.s32 s13, $0x1F  }
0xc: {  	p1 =	slt.u32 s8, $0x2;
	s15 =	smov.u32 @p2 s11  }
0xd: {  	s8 =	sadd.s32 $0x1, s8;
	s13 =	simm.s32 @p2 $0x0;
	p2 =	sgt.s32 s15, $0x1FF  }
0xe: {  	s15 =	smov.u32 @p2 s5;
	p2 =	sne.s32 s8, $0x22  }
.Ltmp1:
0xf: {  	_ = 	snop;
	(pc) =	sbr.rel @!p2 .LBB1_8-.Ltmp1, $4  }
0x10: {  	s14 =	simm.s32 @!p1 $0x2  }
0x11: {  	s12 =	smov.u32 s10;
	_ =	swait.ge @!p1 [sflag:s14], $0x4000  }
0x12: {  	p0 =	por !p0, !p0;
	s11 =	smov.u32 s9;
	[sflag:s14] =	ssyncset.done @!p1 $0x0  }
0x13: {  	s9 =	smov.u32 s13;
	[sflag:s14] =	ssyncadd.s32 @!p1 $0xFFFFC000;
	s10 =	smov.u32 s15  }
.LBB1_1:
0x14: {  	p1 =	sgt.u32 s8, $0x1F  }
0x15: {  	s13 =	sxor.u32 @!p1 $0xFFFFFFFF, s8;
	s14 =	sshll.u32 @!p1 s10, $0xC  }
0x16: {  	s15 =	sshll.u32 @!p1 s9, $0x7;
	s13 =	sshll.u32 @!p1 s13, $0xE;
	s14 =	sadd.s32 @!p1 s2, s14  }
0x17: {  	s13 =	sand.u32 @!p1 $0x4000, s13;
	s14 =	sadd.s32 @!p1 s15, s14;
	s15 =	simm.s32 @!p1 $0x0  }
0x18: {  	[tilespmem:s13], [sflag:$0x1] =	stream.linear.gather @!p1 [hbm4b:s14+s15], $0x4000, $0x38;
	[tilespmem:$0x10000] =	vst v63  }
0x19: {  	p1 =	seq.s32 s8, $0x0  }
0x1a: {  	p2 =	seq.s32 @!p1 s8, $0x21  }
0x1b: {  	p1 =	por p1, p2  }
.Ltmp2:
0x1c: {  	_ = 	snop;
	(pc) =	sbr.rel @p1 .LBB1_7-.Ltmp2, $1  }
0x1d: {  	_ =	sdelay $0x3  }
0x1e: {  	s13 =	simm.s32 $0x1;
	_ =	swait.ge [sflag:s4], $0x4000;
	s16 =	sshll.u32 s8, $0xE  }
0x1f: {  	s13 =	simm.s32 @!p0 $0x0;
	[sflag:s4] =	ssyncset.done $0x0;
	s31 =	sand.u32 $0x4000, s16  }
0x20: {  	s16 =	simm.s32 $0x0;
	s14 =	sshll.u32 s13, $0xE;
	[sflag:s4] =	ssyncadd.s32 $0xFFFFC000  }
0x21: {  	s13 =	sor.u32 $0x8040, s14;
	s15 =	sor.u32 $0x40, s14;
	s14 =	sor.u32 $0x8000, s31  }
.LBB1_3:
0x22: {  	v0 =	vmov s15;
	_ =	sdelay $0x3  }
0x23: {  	s18 =	simm.s32 $0x0  }
0x24: {  	v6 =	vld.idx.msk [tilespmem:v0+s18+$0x30 ss:$0x1], $0xffff  }
0x25: {  	v7 =	vld.idx.msk [tilespmem:v0+s18+$0xFFFFFFC0 ss:$0x1], $0xffff  }
0x26: {  	v5 =	vld.idx.msk [tilespmem:v0+s18+$0xFFFFFFD0 ss:$0x1], $0xffff  }
0x27: {  	v4 =	vld.idx.msk [tilespmem:v0+s18+$0xFFFFFFE0 ss:$0x1], $0xffff  }
0x28: {  	v3 =	vld.idx.msk [tilespmem:v0+s18+$0xFFFFFFF0 ss:$0x1], $0xffff  }
0x29: {  	v1 =	vld.idx.msk [tilespmem:v0+s18+$0x0 ss:$0x1], $0xffff  }
0x2a: {  	v2 =	vld.idx.msk [tilespmem:v0+s18+$0x10 ss:$0x1], $0xffff;
	[tilespmem:s13+$0x30] =	vst v6  }
0x2b: {  	s17 =	simm.s32 $0x80;
	s19 =	simm.s32 $0x400;
	[tilespmem:s13+$0xFFFFFFC0] =	vst v7;
	v6 =	vld.idx.msk [tilespmem:v0+s18+$0x20 ss:$0x1], $0xffff;
	s18 =	smov.u32 s13  }
.LBB1_4:
0x2c: {  	p1 =	sne.s32 s19, $0xE00;
	v7 =	vld.idx.msk [tilespmem:v0+s17+$0x30 ss:$0x1], $0xffff;
	[tilespmem:s18+$0xFFFFFFD0] =	vst v5  }
0x2d: {  	v8 =	vld.idx.msk [tilespmem:v0+s17+$0xFFFFFFC0 ss:$0x1], $0xffff;
	[tilespmem:s18+$0xFFFFFFE0] =	vst v4  }
0x2e: {  	v5 =	vld.idx.msk [tilespmem:v0+s17+$0xFFFFFFD0 ss:$0x1], $0xffff;
	[tilespmem:s18+$0xFFFFFFF0] =	vst v3  }
.Ltmp3:
0x2f: {  	v4 =	vld.idx.msk [tilespmem:v0+s17+$0xFFFFFFE0 ss:$0x1], $0xffff;
	[tilespmem:s18+$0x0] =	vst v1;
	(pc) =	sbr.rel @p1 .LBB1_4-.Ltmp3, $4  }
0x30: {  	v3 =	vld.idx.msk [tilespmem:v0+s17+$0xFFFFFFF0 ss:$0x1], $0xffff;
	[tilespmem:s18+$0x10] =	vst v2  }
0x31: {  	v1 =	vld.idx.msk [tilespmem:v0+s17+$0x0 ss:$0x1], $0xffff;
	[tilespmem:s18+$0x20] =	vst v6;
	s18 =	sadd.s32 $0x800, s18  }
0x32: {  	v2 =	vld.idx.msk [tilespmem:v0+s17+$0x10 ss:$0x1], $0xffff;
	[tilespmem:s18+$0x30] =	vst v7  }
0x33: {  	[tilespmem:s18+$0xFFFFFFC0] =	vst v8;
	v6 =	vld.idx.msk [tilespmem:v0+s17+$0x20 ss:$0x1], $0xffff;
	s17 =	sshra.s32 s19, $0x2;
	s19 =	sadd.s32 $0x200, s19  }
0x34: {  	_ =	sdelay $0x2  }
0x35: {  	[tilespmem:s18+$0xFFFFFFD0] =	vst v5  }
0x36: {  	v56 =	vld.idx.msk [tilespmem:v0+s17+$0x30 ss:$0x1], $0xffff;
	[tilespmem:s18+$0xFFFFFFE0] =	vst v4  }
0x37: {  	v57 =	vld.idx.msk [tilespmem:v0+s17+$0xFFFFFFC0 ss:$0x1], $0xffff;
	[tilespmem:s18+$0xFFFFFFF0] =	vst v3  }
0x38: {  	v58 =	vld.idx.msk [tilespmem:v0+s17+$0xFFFFFFD0 ss:$0x1], $0xffff;
	[tilespmem:s18+$0x0] =	vst v1  }
0x39: {  	v59 =	vld.idx.msk [tilespmem:v0+s17+$0xFFFFFFE0 ss:$0x1], $0xffff;
	[tilespmem:s18+$0x10] =	vst v2  }
0x3a: {  	v60 =	vld.idx.msk [tilespmem:v0+s17+$0xFFFFFFF0 ss:$0x1], $0xffff;
	s31 =	sadd.s32 $0x800, s18;
	[tilespmem:s18+$0x20] =	vst v6  }
0x3b: {  	v61 =	vld.idx.msk [tilespmem:v0+s17+$0x0 ss:$0x1], $0xffff;
	[tilespmem:s31+$0x30] =	vst v56  }
0x3c: {  	v62 =	vld.idx.msk [tilespmem:v0+s17+$0x10 ss:$0x1], $0xffff;
	s16 =	sadd.s32 $0x1, s16;
	[tilespmem:s31+$0xFFFFFFC0] =	vst v57  }
0x3d: {  	v63 =	vld.idx.msk [tilespmem:v0+s17+$0x20 ss:$0x1], $0xffff;
	p1 =	sne.s32 s16, $0x10;
	[tilespmem:s31+$0xFFFFFFD0] =	vst v58  }
.Ltmp4:
0x3e: {  	[tilespmem:s31+$0xFFFFFFE0] =	vst v59;
	(pc) =	sbr.rel @p1 .LBB1_3-.Ltmp4, $4  }
0x3f: {  	[tilespmem:s31+$0xFFFFFFF0] =	vst v60  }
0x40: {  	[tilespmem:s31+$0x0] =	vst v61  }
0x41: {  	[tilespmem:s31+$0x10] =	vst v62  }
0x42: {  	s13 =	sadd.s32 $0x80, s13;
	s15 =	sadd.s32 $0x400, s15;
	[tilespmem:s31+$0x20] =	vst v63  }
.Ltmp5:
0x43: {  	(pc) =	sbr.rel .LBB1_7-.Ltmp5, $4  }
0x44: {  	s12 =	sshll.u32 s12, $0xC;
	s11 =	sshll.u32 s11, $0x4  }
0x45: {  	s11 =	sand.u32 $0x1F0, s11;
	s12 =	sadd.s32 s3, s12  }
0x46: {  	s11 =	sadd.s32 s11, s12  }
0x47: {  	[hbm4b:s11+s6] =	stream.strided.scatter [tilespmem:s14], [sflag:$0x2], $0x4000, s7, s6, $0x38;
	[tilespmem:$0x10000] =	vst v63  }
.LBB1_8:
0x48: {  	_ =	sfence.sel $0x180000  }
0x49: {  	s2 =	simm.s32 $0x1;
	[bflag:$0x0] =	sbarrier.arrive $0xFFFF  }
0x4a: {  	s31 =	simm.s32 $0x2;
	[sflag:s2] =	ssyncpa.u1 $0x1  }
0x4b: {  	[sflag:s31] =	ssyncpa.u1 $0x1  }
0x4c: {  	p0 =	sne.s32 s1, $0x0;
	_ =	strace $0x90000047  }
0x4d: {  	s0 =	sadd.s32 @!p0 $0x100000, s0;
	[bflag:$0x2] =	sbarrier.arrive $0xFFFF  }
0x4e: {  	[sflag:s0] =	ssyncadd.tile.s32 @!p0 $0x1;
	_ =	shalt  }
.Lfunc_end1:
_tile_overlayer_lowered:
.L_overlay_start_2:
0x4f: {  	(tag) =	ssettag $0x2  }
0x50: {  	s0 =	rddreg [dreg:$0x0];
	s2 =	stileid.u32  }
0x51: {  	s1 =	rddreg [dreg:$0x1];
	p0 =	sne.s32 s2, $0x0  }
0x52: {  	s3 =	rddreg [dreg:$0x2];
	[bflag:$0x3] =	sbarrier.arrive $0xFFFF;
	s2 =	simm.s32 @!p0 $0x1C01  }
0x53: {  	[timem:s3], [sflag:s2] =	dma.local @!p0 [hbm:s0], s1  }
0x54: {  	s0 =	simm.s32 @!p0 $0x1  }
0x55: {  	_ =	swait.ge @!p0 [sflag:s0], s1  }
0x56: {  	s1 =	ssub.s32 @!p0 $0x0, s1;
	[sflag:s0] =	ssyncset.done @!p0 $0x0  }
0x57: {  	[sflag:s0] =	ssyncadd.s32 @!p0 s1  }
0x58: {  	[bflag:$0x3] =	sbarrier.arrive $0xFFFF  }
0x59: {  	_ =	shalt  }

</sc_bundles>
